<compile_context>
chip_gen: v7x
topology: tpu7x:2x2x1
jax: 0.10.2.dev20260603
libtpu: 0.0.44.dev20260713+nightly
codegen_flags: <defaults>
</compile_context>

<pallas_src>
import jax
import jax.numpy as jnp
from jax import lax
from jax.experimental import pallas as pl
from jax.experimental.pallas import tpu as pltpu
from jax.experimental.pallas import tpu_sc as plsc

DIM = 1024
N_MARKERS = 3
NW = 32
CH = 32
NCH = 8
NB = 3
TPW = CH * NCH
NG = TPW // 16


def _body(tok_hbm, table_hbm, meta_hbm, out_hbm,
          tok_v, meta_v, buf0, buf1, buf2,
          gsem0, gsem1, gsem2, osem0, osem1, osem2, msem):
    c = lax.axis_index("c")
    s = lax.axis_index("s")
    wid = s * 2 + c
    base = wid * TPW
    ncols = tok_hbm.shape[1]
    row = (wid * TPW) // ncols
    col = pl.multiple_of((wid * TPW) % ncols, TPW)

    pltpu.sync_copy(tok_hbm.at[row, pl.ds(col, TPW)], tok_v)
    meta_cp = pltpu.async_copy(meta_hbm, meta_v, msem)

    lanes = lax.iota(jnp.int32, 16)

    def lane_min(v):
        for sh in (1, 2, 4, 8):
            v = jnp.minimum(v, v.at[lanes ^ sh].get(mode="promise_in_bounds"))
        return v

    def min_body(g, m):
        off = pl.multiple_of(g * 16, 16)
        return jnp.minimum(m, tok_v[pl.ds(off, 16)])

    gm = lane_min(lax.fori_loop(1, NG, min_body, tok_v[pl.ds(0, 16)]))

    bufs = (buf0, buf1, buf2)
    gsems = (gsem0, gsem1, gsem2)
    osems = (osem0, osem1, osem2)

    def gather(j):
        return pltpu.async_copy(
            table_hbm.at[tok_v.at[pl.ds(j * CH, CH)]], bufs[j % NB],
            gsems[j % NB])

    gh = [None] * NCH
    oh = [None] * NB
    for j in range(NB - 1):
        gh[j] = gather(j)
    for j in range(NCH):
        b = j % NB
        jn = j + NB - 1
        if jn < NCH:
            nb = jn % NB
            if oh[nb] is not None:
                oh[nb].wait()
            gh[jn] = gather(jn)
        gh[j].wait()
        oh[b] = pltpu.async_copy(
            bufs[b], out_hbm.at[pl.ds(base + j * CH, CH)], osems[b])
    for h in oh:
        h.wait()

    meta_cp.wait()

    @pl.when(gm[0] < N_MARKERS)
    def _():
        def group_body(g, carry):
            off = pl.multiple_of(g * 16, 16)
            t16 = tok_v[pl.ds(off, 16)]

            @pl.when(lane_min(t16)[0] < N_MARKERS)
            def _():
                def fix(l, c2):
                    sel = (lanes + l) & 15
                    t = t16.at[sel].get(mode="promise_in_bounds")[0]

                    @pl.when(t < N_MARKERS)
                    def __():
                        pltpu.sync_copy(
                            meta_v.at[t],
                            out_hbm.at[base + g * 16 + l])
                    return c2

                lax.fori_loop(0, 16, fix, 0)
            return carry

        lax.fori_loop(0, NG, group_body, 0)


@jax.jit
def _run(tokens, table, meta_reps):
    return pl.kernel(
        _body,
        out_type=jax.ShapeDtypeStruct((NW * TPW, DIM), jnp.float32),
        mesh=plsc.VectorSubcoreMesh(core_axis_name="c", subcore_axis_name="s"),
        scratch_types=[
            pltpu.VMEM((TPW,), jnp.int32),
            pltpu.VMEM((N_MARKERS, DIM), jnp.float32),
            pltpu.VMEM((CH, DIM), jnp.float32),
            pltpu.VMEM((CH, DIM), jnp.float32),
            pltpu.VMEM((CH, DIM), jnp.float32),
            pltpu.SemaphoreType.DMA,
            pltpu.SemaphoreType.DMA,
            pltpu.SemaphoreType.DMA,
            pltpu.SemaphoreType.DMA,
            pltpu.SemaphoreType.DMA,
            pltpu.SemaphoreType.DMA,
            pltpu.SemaphoreType.DMA,
        ],
    )(tokens, table, meta_reps)


def kernel(tokens, table, meta_reps):
    b, s = tokens.shape
    out = _run(tokens, table, meta_reps)
    return out.reshape(b, s, DIM)

# --- scband reference (transcript-rebuilt; emitter-appended) ---
"""Pipeline reference for scband-input-phase-47201690583128 (READ-ONLY COPY).

The authoritative reference and input builder live on the scoring server;
editing this copy changes nothing except your own understanding.
"""

import jax, jax.numpy as jnp
import numpy as np

VOCAB = 100000
DIM = 1024
B = 4
S = 2048
N_MARKERS = 3  # number/amount/date meta marker tokens occupy ids [0, N_MARKERS)


def setup_inputs(seed: int = 0) -> dict:
    key = jax.random.key(seed)
    k1, k2, k3 = jax.random.split(key, 3)
    tokens = jax.random.randint(k1, (B, S), 0, VOCAB, dtype=jnp.int32)
    table = jax.random.normal(k2, (VOCAB, DIM), dtype=jnp.float32) * 0.02
    # stand-in for MetaDataTokens reps (number/amount/date), one rep per marker id
    meta_reps = jax.random.normal(k3, (N_MARKERS, DIM), dtype=jnp.float32)
    return {"tokens": tokens, "table": table, "meta_reps": meta_reps}


def reference(tokens, table, meta_reps):
    # batch_embeddings = self.embeddings(tensors)
    emb = jnp.take(table, tokens, axis=0)  # [B, S, D]
    # positions whose token id is a meta marker get overwritten by the
    # corresponding metadata representation (scatter-overwrite in torch)
    n_markers = meta_reps.shape[0]
    mask = tokens < n_markers  # [B, S]
    rep_idx = jnp.clip(tokens, 0, n_markers - 1)
    rep = jnp.take(meta_reps, rep_idx, axis=0)  # [B, S, D]
    out = jnp.where(mask[..., None], rep, emb)
    return out

if __name__ == "__main__":
    import jax
    _d = setup_inputs()
    print(jax.jit(kernel)(*tuple(_d.values())))

</pallas_src>

<mosaic_0001>
#map = affine_map<(d0, d1) -> (0, 0)>
module attributes {stable_mosaic.version = 14 : i64} {
  func.func @_body(%arg0: i32, %arg1: i32, %arg2: memref<4x2048xi32, #tpu.memory_space<hbm>>, %arg3: memref<100000x1024xf32, #tpu.memory_space<hbm>>, %arg4: memref<3x1024xf32, #tpu.memory_space<hbm>>, %arg5: memref<8192x1024xf32, #tpu.memory_space<hbm>>, %arg6: memref<256xi32, #tpu.memory_space<vmem>>, %arg7: memref<3x1024xf32, #tpu.memory_space<vmem>>, %arg8: memref<32x1024xf32, #tpu.memory_space<vmem>>, %arg9: memref<32x1024xf32, #tpu.memory_space<vmem>>, %arg10: memref<32x1024xf32, #tpu.memory_space<vmem>>, %arg11: memref<!tpu.dma_semaphore, #tpu.memory_space<semaphore_mem>>, %arg12: memref<!tpu.dma_semaphore, #tpu.memory_space<semaphore_mem>>, %arg13: memref<!tpu.dma_semaphore, #tpu.memory_space<semaphore_mem>>, %arg14: memref<!tpu.dma_semaphore, #tpu.memory_space<semaphore_mem>>, %arg15: memref<!tpu.dma_semaphore, #tpu.memory_space<semaphore_mem>>, %arg16: memref<!tpu.dma_semaphore, #tpu.memory_space<semaphore_mem>>, %arg17: memref<!tpu.dma_semaphore, #tpu.memory_space<semaphore_mem>>) attributes {dimension_semantics = [#tpu.dimension_semantics<core_parallel>, #tpu.dimension_semantics<subcore_parallel>], iteration_bounds = array<i64: 2, 16>, scalar_prefetch = 0 : i64, scratch_operands = 12 : i64, tpu.core_type = #tpu.core_type<sc_vector_subcore>, window_params = [{transform_indices = #map}, {transform_indices = #map}, {transform_indices = #map}, {transform_indices = #map}]} {
    %mul3A = arith.constant 2 : i32
    %mul3A_0 = arith.muli %arg1, %mul3A : i32
    %add3A = arith.addi %mul3A_0, %arg0 : i32
    %mul3A_1 = arith.constant 256 : i32
    %mul3A_2 = arith.muli %add3A, %mul3A_1 : i32
    %mul3A_3 = arith.constant 256 : i32
    %mul3A_4 = arith.muli %add3A, %mul3A_3 : i32
    %jit3A = arith.constant 2048 : i32
    %div3A = arith.divsi %mul3A_4, %jit3A : i32
    %sign3A = arith.constant 0 : i32
    %sign3A_5 = arith.cmpi sgt, %mul3A_4, %sign3A : i32
    %sign3A_6 = arith.extui %sign3A_5 : i1 to i32
    %sign3A_7 = arith.constant 0 : i32
    %sign3A_8 = arith.cmpi slt, %mul3A_4, %sign3A_7 : i32
    %sign3A_9 = arith.extui %sign3A_8 : i1 to i32
    %sign3A_10 = arith.subi %sign3A_6, %sign3A_9 : i32
    %sign3A_11 = arith.constant 0 : i32
    %sign3A_12 = arith.cmpi sgt, %jit3A, %sign3A_11 : i32
    %sign3A_13 = arith.extui %sign3A_12 : i1 to i32
    %sign3A_14 = arith.constant 0 : i32
    %sign3A_15 = arith.cmpi slt, %jit3A, %sign3A_14 : i32
    %sign3A_16 = arith.extui %sign3A_15 : i1 to i32
    %sign3A_17 = arith.subi %sign3A_13, %sign3A_16 : i32
    %ne3A = arith.cmpi ne, %sign3A_10, %sign3A_17 : i32
    %rem3A = arith.remsi %mul3A_4, %jit3A : i32
    %ne3A_18 = arith.constant 0 : i32
    %ne3A_19 = arith.cmpi ne, %rem3A, %ne3A_18 : i32
    %and3A = arith.andi %ne3A, %ne3A_19 : i1
    %sub3A = arith.constant 1 : i32
    %sub3A_20 = arith.subi %div3A, %sub3A : i32
    %select_n3A = arith.select %and3A, %sub3A_20, %div3A : i32
    %mul3A_21 = arith.constant 256 : i32
    %mul3A_22 = arith.muli %add3A, %mul3A_21 : i32
    %jit3A_23 = arith.constant 2048 : i32
    %eq3A = arith.constant 0 : i32
    %eq3A_24 = arith.cmpi eq, %jit3A_23, %eq3A : i32
    %jit3A_25 = arith.constant 1 : i32
    %select_n3A_26 = arith.select %eq3A_24, %jit3A_25, %jit3A_23 : i32
    %rem3A_27 = arith.remsi %mul3A_22, %select_n3A_26 : i32
    %ne3A_28 = arith.constant 0 : i32
    %ne3A_29 = arith.cmpi ne, %rem3A_27, %ne3A_28 : i32
    %lt3A = arith.constant 0 : i32
    %lt3A_30 = arith.cmpi slt, %rem3A_27, %lt3A : i32
    %lt3A_31 = arith.constant 0 : i32
    %lt3A_32 = arith.cmpi slt, %select_n3A_26, %lt3A_31 : i32
    %ne3A_33 = arith.xori %lt3A_30, %lt3A_32 : i1
    %and3A_34 = arith.andi %ne3A_33, %ne3A_29 : i1
    %add3A_35 = arith.addi %rem3A_27, %select_n3A_26 : i32
    %select_n3A_36 = arith.select %and3A_34, %add3A_35, %rem3A_27 : i32
    %multiple_of3A = tpu.assume_multiple %select_n3A_36, 256 : i32
    "tpu.region"() ({
      %run_scoped3A = tpu.sem_alloc : memref<!tpu.dma_semaphore, #tpu.memory_space<semaphore_mem>>
      %dma_start3A_257 = tpu.memref_slice %arg2[%select_n3A, %multiple_of3A] : memref<4x2048xi32, #tpu.memory_space<hbm>> -> memref<1x256xi32, #tpu.memory_space<hbm>>
      %dma_start3A_258 = tpu.memref_squeeze %dma_start3A_257 : memref<1x256xi32, #tpu.memory_space<hbm>> -> memref<256xi32, #tpu.memory_space<hbm>>
      %dma_start3A_259 = tpu.memref_slice %arg2[%select_n3A, %multiple_of3A] : memref<4x2048xi32, #tpu.memory_space<hbm>> -> memref<1x256xi32, #tpu.memory_space<hbm>>
      %dma_start3A_260 = tpu.memref_squeeze %dma_start3A_259 : memref<1x256xi32, #tpu.memory_space<hbm>> -> memref<256xi32, #tpu.memory_space<hbm>>
      tpu.enqueue_dma source(%dma_start3A_260 : memref<256xi32, #tpu.memory_space<hbm>>) target(%arg6 : memref<256xi32, #tpu.memory_space<vmem>>) target_semaphore(%run_scoped3A : memref<!tpu.dma_semaphore, #tpu.memory_space<semaphore_mem>>)
      %dma_wait3A_261 = tpu.memref_slice %arg2[%select_n3A, %multiple_of3A] : memref<4x2048xi32, #tpu.memory_space<hbm>> -> memref<1x256xi32, #tpu.memory_space<hbm>>
      %dma_wait3A_262 = tpu.memref_squeeze %dma_wait3A_261 : memref<1x256xi32, #tpu.memory_space<hbm>> -> memref<256xi32, #tpu.memory_space<hbm>>
      %dma_wait3A_263 = tpu.memref_slice %arg2[%select_n3A, %multiple_of3A] : memref<4x2048xi32, #tpu.memory_space<hbm>> -> memref<1x256xi32, #tpu.memory_space<hbm>>
      %dma_wait3A_264 = tpu.memref_squeeze %dma_wait3A_263 : memref<1x256xi32, #tpu.memory_space<hbm>> -> memref<256xi32, #tpu.memory_space<hbm>>
      tpu.wait_dma2 semaphore(%run_scoped3A : memref<!tpu.dma_semaphore, #tpu.memory_space<semaphore_mem>>) src(%dma_wait3A_264 : memref<256xi32, #tpu.memory_space<hbm>>) dst(%arg6 : memref<256xi32, #tpu.memory_space<vmem>>)
      tpu.yield
    }) : () -> ()
    tpu.enqueue_dma source(%arg4 : memref<3x1024xf32, #tpu.memory_space<hbm>>) target(%arg7 : memref<3x1024xf32, #tpu.memory_space<vmem>>) target_semaphore(%arg17 : memref<!tpu.dma_semaphore, #tpu.memory_space<semaphore_mem>>)
    %iota3A = tpu.iota {dimensions = array<i32: 0>} : vector<16xi32>
    %get3A = arith.constant 0 : index
    %get3A_37 = tpu.vector_load %arg6[%get3A] {strides = array<i32>} : memref<256xi32, #tpu.memory_space<vmem>>, vector<16xi32>,
    %get3A_38 = vector.shape_cast %get3A_37 : vector<16xi32> to vector<16xi32>
    %scan3A = arith.constant 1 : i32
    %scan3A_39 = arith.constant 15 : i32
    %scan3A_40 = arith.addi %scan3A, %scan3A_39 : i32
    %scan3A_41 = arith.constant 1 : i32
    %scan3A_42 = scf.for %scan3A_257 = %scan3A to %scan3A_40 step %scan3A_41 iter_args(%scan3A_258 = %get3A_38) -> (vector<16xi32>)  : i32 {
      %mul3A_259 = arith.constant 16 : i32
      %mul3A_260 = arith.muli %scan3A_257, %mul3A_259 : i32
      %multiple_of3A_261 = tpu.assume_multiple %mul3A_260, 16 : i32
      %get3A_262 = arith.index_cast %multiple_of3A_261 : i32 to index
      %get3A_263 = tpu.vector_load %arg6[%get3A_262] {strides = array<i32>} : memref<256xi32, #tpu.memory_space<vmem>>, vector<16xi32>,
      %get3A_264 = vector.shape_cast %get3A_263 : vector<16xi32> to vector<16xi32>
      %min3A_265 = arith.minsi %scan3A_258, %get3A_264 : vector<16xi32>
      scf.yield %min3A_265 : vector<16xi32>
    }
    %scan3A_43 = arith.constant 15 : i32
    %xor3A = arith.constant 1 : i32
    %xor3A_44 = vector.broadcast %xor3A : i32 to vector<16xi32>
    %xor3A_45 = arith.xori %iota3A, %xor3A_44 : vector<16xi32>
    %lt3A_46 = arith.constant 0 : i32
    %lt3A_47 = vector.broadcast %lt3A_46 : i32 to vector<16xi32>
    %lt3A_48 = arith.cmpi slt, %xor3A_45, %lt3A_47 : vector<16xi32>
    %add3A_49 = arith.constant 16 : i32
    %add3A_50 = vector.broadcast %add3A_49 : i32 to vector<16xi32>
    %add3A_51 = arith.addi %xor3A_45, %add3A_50 : vector<16xi32>
    %select_n3A_52 = arith.select %lt3A_48, %add3A_51, %xor3A_45 : vector<16xi1>, vector<16xi32>
    %broadcast_in_dim3A = vector.shape_cast %select_n3A_52 : vector<16xi32> to vector<16x1xi32>
    %gather3A = vector.shape_cast %broadcast_in_dim3A : vector<16x1xi32> to vector<16xi32>
    %gather3A_53 = tpu.dynamic_gather %scan3A_42[%gather3A] in [0] : vector<16xi32>, vector<16xi32> -> vector<16xi32>
    %min3A = arith.minsi %scan3A_42, %gather3A_53 : vector<16xi32>
    %xor3A_54 = arith.constant 2 : i32
    %xor3A_55 = vector.broadcast %xor3A_54 : i32 to vector<16xi32>
    %xor3A_56 = arith.xori %iota3A, %xor3A_55 : vector<16xi32>
    %lt3A_57 = arith.constant 0 : i32
    %lt3A_58 = vector.broadcast %lt3A_57 : i32 to vector<16xi32>
    %lt3A_59 = arith.cmpi slt, %xor3A_56, %lt3A_58 : vector<16xi32>
    %add3A_60 = arith.constant 16 : i32
    %add3A_61 = vector.broadcast %add3A_60 : i32 to vector<16xi32>
    %add3A_62 = arith.addi %xor3A_56, %add3A_61 : vector<16xi32>
    %select_n3A_63 = arith.select %lt3A_59, %add3A_62, %xor3A_56 : vector<16xi1>, vector<16xi32>
    %broadcast_in_dim3A_64 = vector.shape_cast %select_n3A_63 : vector<16xi32> to vector<16x1xi32>
    %gather3A_65 = vector.shape_cast %broadcast_in_dim3A_64 : vector<16x1xi32> to vector<16xi32>
    %gather3A_66 = tpu.dynamic_gather %min3A[%gather3A_65] in [0] : vector<16xi32>, vector<16xi32> -> vector<16xi32>
    %min3A_67 = arith.minsi %min3A, %gather3A_66 : vector<16xi32>
    %xor3A_68 = arith.constant 4 : i32
    %xor3A_69 = vector.broadcast %xor3A_68 : i32 to vector<16xi32>
    %xor3A_70 = arith.xori %iota3A, %xor3A_69 : vector<16xi32>
    %lt3A_71 = arith.constant 0 : i32
    %lt3A_72 = vector.broadcast %lt3A_71 : i32 to vector<16xi32>
    %lt3A_73 = arith.cmpi slt, %xor3A_70, %lt3A_72 : vector<16xi32>
    %add3A_74 = arith.constant 16 : i32
    %add3A_75 = vector.broadcast %add3A_74 : i32 to vector<16xi32>
    %add3A_76 = arith.addi %xor3A_70, %add3A_75 : vector<16xi32>
    %select_n3A_77 = arith.select %lt3A_73, %add3A_76, %xor3A_70 : vector<16xi1>, vector<16xi32>
    %broadcast_in_dim3A_78 = vector.shape_cast %select_n3A_77 : vector<16xi32> to vector<16x1xi32>
    %gather3A_79 = vector.shape_cast %broadcast_in_dim3A_78 : vector<16x1xi32> to vector<16xi32>
    %gather3A_80 = tpu.dynamic_gather %min3A_67[%gather3A_79] in [0] : vector<16xi32>, vector<16xi32> -> vector<16xi32>
    %min3A_81 = arith.minsi %min3A_67, %gather3A_80 : vector<16xi32>
    %xor3A_82 = arith.constant 8 : i32
    %xor3A_83 = vector.broadcast %xor3A_82 : i32 to vector<16xi32>
    %xor3A_84 = arith.xori %iota3A, %xor3A_83 : vector<16xi32>
    %lt3A_85 = arith.constant 0 : i32
    %lt3A_86 = vector.broadcast %lt3A_85 : i32 to vector<16xi32>
    %lt3A_87 = arith.cmpi slt, %xor3A_84, %lt3A_86 : vector<16xi32>
    %add3A_88 = arith.constant 16 : i32
    %add3A_89 = vector.broadcast %add3A_88 : i32 to vector<16xi32>
    %add3A_90 = arith.addi %xor3A_84, %add3A_89 : vector<16xi32>
    %select_n3A_91 = arith.select %lt3A_87, %add3A_90, %xor3A_84 : vector<16xi1>, vector<16xi32>
    %broadcast_in_dim3A_92 = vector.shape_cast %select_n3A_91 : vector<16xi32> to vector<16x1xi32>
    %gather3A_93 = vector.shape_cast %broadcast_in_dim3A_92 : vector<16x1xi32> to vector<16xi32>
    %gather3A_94 = tpu.dynamic_gather %min3A_81[%gather3A_93] in [0] : vector<16xi32>, vector<16xi32> -> vector<16xi32>
    %min3A_95 = arith.minsi %min3A_81, %gather3A_94 : vector<16xi32>
    %dma_start3A = arith.constant 0 : i32
    %dma_start3A_96 = tpu.memref_slice %arg6[%dma_start3A] : memref<256xi32, #tpu.memory_space<vmem>> -> memref<32xi32, #tpu.memory_space<vmem>>
    %dma_start3A_97 = arith.constant 0 : i32
    %dma_start3A_98 = arith.constant 0 : i32
    %dma_start3A_99 = tpu.memref_slice %arg3[%dma_start3A_97, %dma_start3A_98] : memref<100000x1024xf32, #tpu.memory_space<hbm>> -> memref<100000x1024xf32, #tpu.memory_space<hbm>>
    tpu.enqueue_indirect_dma source(%dma_start3A_99 : memref<100000x1024xf32, #tpu.memory_space<hbm>>) target(%arg8 : memref<32x1024xf32, #tpu.memory_space<vmem>>) offsets(%dma_start3A_96 : memref<32xi32, #tpu.memory_space<vmem>>) semaphore(%arg11 : memref<!tpu.dma_semaphore, #tpu.memory_space<semaphore_mem>>)
    %dma_start3A_100 = arith.constant 32 : i32
    %dma_start3A_101 = tpu.memref_slice %arg6[%dma_start3A_100] : memref<256xi32, #tpu.memory_space<vmem>> -> memref<32xi32, #tpu.memory_space<vmem>>
    %dma_start3A_102 = arith.constant 0 : i32
    %dma_start3A_103 = arith.constant 0 : i32
    %dma_start3A_104 = tpu.memref_slice %arg3[%dma_start3A_102, %dma_start3A_103] : memref<100000x1024xf32, #tpu.memory_space<hbm>> -> memref<100000x1024xf32, #tpu.memory_space<hbm>>
    tpu.enqueue_indirect_dma source(%dma_start3A_104 : memref<100000x1024xf32, #tpu.memory_space<hbm>>) target(%arg9 : memref<32x1024xf32, #tpu.memory_space<vmem>>) offsets(%dma_start3A_101 : memref<32xi32, #tpu.memory_space<vmem>>) semaphore(%arg12 : memref<!tpu.dma_semaphore, #tpu.memory_space<semaphore_mem>>)
    %dma_start3A_105 = arith.constant 64 : i32
    %dma_start3A_106 = tpu.memref_slice %arg6[%dma_start3A_105] : memref<256xi32, #tpu.memory_space<vmem>> -> memref<32xi32, #tpu.memory_space<vmem>>
    %dma_start3A_107 = arith.constant 0 : i32
    %dma_start3A_108 = arith.constant 0 : i32
    %dma_start3A_109 = tpu.memref_slice %arg3[%dma_start3A_107, %dma_start3A_108] : memref<100000x1024xf32, #tpu.memory_space<hbm>> -> memref<100000x1024xf32, #tpu.memory_space<hbm>>
    tpu.enqueue_indirect_dma source(%dma_start3A_109 : memref<100000x1024xf32, #tpu.memory_space<hbm>>) target(%arg10 : memref<32x1024xf32, #tpu.memory_space<vmem>>) offsets(%dma_start3A_106 : memref<32xi32, #tpu.memory_space<vmem>>) semaphore(%arg13 : memref<!tpu.dma_semaphore, #tpu.memory_space<semaphore_mem>>)
    %dma_wait3A = arith.constant 0 : i32
    %dma_wait3A_110 = tpu.memref_slice %arg6[%dma_wait3A] : memref<256xi32, #tpu.memory_space<vmem>> -> memref<32xi32, #tpu.memory_space<vmem>>
    %dma_wait3A_111 = arith.constant 0 : i32
    %dma_wait3A_112 = arith.constant 0 : i32
    %dma_wait3A_113 = tpu.memref_slice %arg3[%dma_wait3A_111, %dma_wait3A_112] : memref<100000x1024xf32, #tpu.memory_space<hbm>> -> memref<100000x1024xf32, #tpu.memory_space<hbm>>
    tpu.wait_indirect_dma semaphore(%arg11 : memref<!tpu.dma_semaphore, #tpu.memory_space<semaphore_mem>>) src(%dma_wait3A_113 : memref<100000x1024xf32, #tpu.memory_space<hbm>>) dst(%arg8 : memref<32x1024xf32, #tpu.memory_space<vmem>>)
    %add3A_114 = arith.constant 0 : i32
    %add3A_115 = arith.addi %mul3A_2, %add3A_114 : i32
    %dma_start3A_116 = arith.constant 0 : i32
    %dma_start3A_117 = tpu.memref_slice %arg5[%add3A_115, %dma_start3A_116] : memref<8192x1024xf32, #tpu.memory_space<hbm>> -> memref<32x1024xf32, #tpu.memory_space<hbm>>
    %dma_start3A_118 = arith.constant 0 : i32
    %dma_start3A_119 = tpu.memref_slice %arg5[%add3A_115, %dma_start3A_118] : memref<8192x1024xf32, #tpu.memory_space<hbm>> -> memref<32x1024xf32, #tpu.memory_space<hbm>>
    tpu.enqueue_dma source(%arg8 : memref<32x1024xf32, #tpu.memory_space<vmem>>) target(%dma_start3A_119 : memref<32x1024xf32, #tpu.memory_space<hbm>>) target_semaphore(%arg14 : memref<!tpu.dma_semaphore, #tpu.memory_space<semaphore_mem>>)
    %dma_wait3A_120 = arith.constant 0 : i32
    %dma_wait3A_121 = tpu.memref_slice %arg5[%add3A_115, %dma_wait3A_120] : memref<8192x1024xf32, #tpu.memory_space<hbm>> -> memref<32x1024xf32, #tpu.memory_space<hbm>>
    %dma_wait3A_122 = arith.constant 0 : i32
    %dma_wait3A_123 = tpu.memref_slice %arg5[%add3A_115, %dma_wait3A_122] : memref<8192x1024xf32, #tpu.memory_space<hbm>> -> memref<32x1024xf32, #tpu.memory_space<hbm>>
    tpu.wait_dma2 semaphore(%arg14 : memref<!tpu.dma_semaphore, #tpu.memory_space<semaphore_mem>>) src(%arg8 : memref<32x1024xf32, #tpu.memory_space<vmem>>) dst(%dma_wait3A_123 : memref<32x1024xf32, #tpu.memory_space<hbm>>)
    %dma_start3A_124 = arith.constant 96 : i32
    %dma_start3A_125 = tpu.memref_slice %arg6[%dma_start3A_124] : memref<256xi32, #tpu.memory_space<vmem>> -> memref<32xi32, #tpu.memory_space<vmem>>
    %dma_start3A_126 = arith.constant 0 : i32
    %dma_start3A_127 = arith.constant 0 : i32
    %dma_start3A_128 = tpu.memref_slice %arg3[%dma_start3A_126, %dma_start3A_127] : memref<100000x1024xf32, #tpu.memory_space<hbm>> -> memref<100000x1024xf32, #tpu.memory_space<hbm>>
    tpu.enqueue_indirect_dma source(%dma_start3A_128 : memref<100000x1024xf32, #tpu.memory_space<hbm>>) target(%arg8 : memref<32x1024xf32, #tpu.memory_space<vmem>>) offsets(%dma_start3A_125 : memref<32xi32, #tpu.memory_space<vmem>>) semaphore(%arg11 : memref<!tpu.dma_semaphore, #tpu.memory_space<semaphore_mem>>)
    %dma_wait3A_129 = arith.constant 32 : i32
    %dma_wait3A_130 = tpu.memref_slice %arg6[%dma_wait3A_129] : memref<256xi32, #tpu.memory_space<vmem>> -> memref<32xi32, #tpu.memory_space<vmem>>
    %dma_wait3A_131 = arith.constant 0 : i32
    %dma_wait3A_132 = arith.constant 0 : i32
    %dma_wait3A_133 = tpu.memref_slice %arg3[%dma_wait3A_131, %dma_wait3A_132] : memref<100000x1024xf32, #tpu.memory_space<hbm>> -> memref<100000x1024xf32, #tpu.memory_space<hbm>>
    tpu.wait_indirect_dma semaphore(%arg12 : memref<!tpu.dma_semaphore, #tpu.memory_space<semaphore_mem>>) src(%dma_wait3A_133 : memref<100000x1024xf32, #tpu.memory_space<hbm>>) dst(%arg9 : memref<32x1024xf32, #tpu.memory_space<vmem>>)
    %add3A_134 = arith.constant 32 : i32
    %add3A_135 = arith.addi %mul3A_2, %add3A_134 : i32
    %dma_start3A_136 = arith.constant 0 : i32
    %dma_start3A_137 = tpu.memref_slice %arg5[%add3A_135, %dma_start3A_136] : memref<8192x1024xf32, #tpu.memory_space<hbm>> -> memref<32x1024xf32, #tpu.memory_space<hbm>>
    %dma_start3A_138 = arith.constant 0 : i32
    %dma_start3A_139 = tpu.memref_slice %arg5[%add3A_135, %dma_start3A_138] : memref<8192x1024xf32, #tpu.memory_space<hbm>> -> memref<32x1024xf32, #tpu.memory_space<hbm>>
    tpu.enqueue_dma source(%arg9 : memref<32x1024xf32, #tpu.memory_space<vmem>>) target(%dma_start3A_139 : memref<32x1024xf32, #tpu.memory_space<hbm>>) target_semaphore(%arg15 : memref<!tpu.dma_semaphore, #tpu.memory_space<semaphore_mem>>)
    %dma_wait3A_140 = arith.constant 0 : i32
    %dma_wait3A_141 = tpu.memref_slice %arg5[%add3A_135, %dma_wait3A_140] : memref<8192x1024xf32, #tpu.memory_space<hbm>> -> memref<32x1024xf32, #tpu.memory_space<hbm>>
    %dma_wait3A_142 = arith.constant 0 : i32
    %dma_wait3A_143 = tpu.memref_slice %arg5[%add3A_135, %dma_wait3A_142] : memref<8192x1024xf32, #tpu.memory_space<hbm>> -> memref<32x1024xf32, #tpu.memory_space<hbm>>
    tpu.wait_dma2 semaphore(%arg15 : memref<!tpu.dma_semaphore, #tpu.memory_space<semaphore_mem>>) src(%arg9 : memref<32x1024xf32, #tpu.memory_space<vmem>>) dst(%dma_wait3A_143 : memref<32x1024xf32, #tpu.memory_space<hbm>>)
    %dma_start3A_144 = arith.constant 128 : i32
    %dma_start3A_145 = tpu.memref_slice %arg6[%dma_start3A_144] : memref<256xi32, #tpu.memory_space<vmem>> -> memref<32xi32, #tpu.memory_space<vmem>>
    %dma_start3A_146 = arith.constant 0 : i32
    %dma_start3A_147 = arith.constant 0 : i32
    %dma_start3A_148 = tpu.memref_slice %arg3[%dma_start3A_146, %dma_start3A_147] : memref<100000x1024xf32, #tpu.memory_space<hbm>> -> memref<100000x1024xf32, #tpu.memory_space<hbm>>
    tpu.enqueue_indirect_dma source(%dma_start3A_148 : memref<100000x1024xf32, #tpu.memory_space<hbm>>) target(%arg9 : memref<32x1024xf32, #tpu.memory_space<vmem>>) offsets(%dma_start3A_145 : memref<32xi32, #tpu.memory_space<vmem>>) semaphore(%arg12 : memref<!tpu.dma_semaphore, #tpu.memory_space<semaphore_mem>>)
    %dma_wait3A_149 = arith.constant 64 : i32
    %dma_wait3A_150 = tpu.memref_slice %arg6[%dma_wait3A_149] : memref<256xi32, #tpu.memory_space<vmem>> -> memref<32xi32, #tpu.memory_space<vmem>>
    %dma_wait3A_151 = arith.constant 0 : i32
    %dma_wait3A_152 = arith.constant 0 : i32
    %dma_wait3A_153 = tpu.memref_slice %arg3[%dma_wait3A_151, %dma_wait3A_152] : memref<100000x1024xf32, #tpu.memory_space<hbm>> -> memref<100000x1024xf32, #tpu.memory_space<hbm>>
    tpu.wait_indirect_dma semaphore(%arg13 : memref<!tpu.dma_semaphore, #tpu.memory_space<semaphore_mem>>) src(%dma_wait3A_153 : memref<100000x1024xf32, #tpu.memory_space<hbm>>) dst(%arg10 : memref<32x1024xf32, #tpu.memory_space<vmem>>)
    %add3A_154 = arith.constant 64 : i32
    %add3A_155 = arith.addi %mul3A_2, %add3A_154 : i32
    %dma_start3A_156 = arith.constant 0 : i32
    %dma_start3A_157 = tpu.memref_slice %arg5[%add3A_155, %dma_start3A_156] : memref<8192x1024xf32, #tpu.memory_space<hbm>> -> memref<32x1024xf32, #tpu.memory_space<hbm>>
    %dma_start3A_158 = arith.constant 0 : i32
    %dma_start3A_159 = tpu.memref_slice %arg5[%add3A_155, %dma_start3A_158] : memref<8192x1024xf32, #tpu.memory_space<hbm>> -> memref<32x1024xf32, #tpu.memory_space<hbm>>
    tpu.enqueue_dma source(%arg10 : memref<32x1024xf32, #tpu.memory_space<vmem>>) target(%dma_start3A_159 : memref<32x1024xf32, #tpu.memory_space<hbm>>) target_semaphore(%arg16 : memref<!tpu.dma_semaphore, #tpu.memory_space<semaphore_mem>>)
    %dma_wait3A_160 = arith.constant 0 : i32
    %dma_wait3A_161 = tpu.memref_slice %arg5[%add3A_155, %dma_wait3A_160] : memref<8192x1024xf32, #tpu.memory_space<hbm>> -> memref<32x1024xf32, #tpu.memory_space<hbm>>
    %dma_wait3A_162 = arith.constant 0 : i32
    %dma_wait3A_163 = tpu.memref_slice %arg5[%add3A_155, %dma_wait3A_162] : memref<8192x1024xf32, #tpu.memory_space<hbm>> -> memref<32x1024xf32, #tpu.memory_space<hbm>>
    tpu.wait_dma2 semaphore(%arg16 : memref<!tpu.dma_semaphore, #tpu.memory_space<semaphore_mem>>) src(%arg10 : memref<32x1024xf32, #tpu.memory_space<vmem>>) dst(%dma_wait3A_163 : memref<32x1024xf32, #tpu.memory_space<hbm>>)
    %dma_start3A_164 = arith.constant 160 : i32
    %dma_start3A_165 = tpu.memref_slice %arg6[%dma_start3A_164] : memref<256xi32, #tpu.memory_space<vmem>> -> memref<32xi32, #tpu.memory_space<vmem>>
    %dma_start3A_166 = arith.constant 0 : i32
    %dma_start3A_167 = arith.constant 0 : i32
    %dma_start3A_168 = tpu.memref_slice %arg3[%dma_start3A_166, %dma_start3A_167] : memref<100000x1024xf32, #tpu.memory_space<hbm>> -> memref<100000x1024xf32, #tpu.memory_space<hbm>>
    tpu.enqueue_indirect_dma source(%dma_start3A_168 : memref<100000x1024xf32, #tpu.memory_space<hbm>>) target(%arg10 : memref<32x1024xf32, #tpu.memory_space<vmem>>) offsets(%dma_start3A_165 : memref<32xi32, #tpu.memory_space<vmem>>) semaphore(%arg13 : memref<!tpu.dma_semaphore, #tpu.memory_space<semaphore_mem>>)
    %dma_wait3A_169 = arith.constant 96 : i32
    %dma_wait3A_170 = tpu.memref_slice %arg6[%dma_wait3A_169] : memref<256xi32, #tpu.memory_space<vmem>> -> memref<32xi32, #tpu.memory_space<vmem>>
    %dma_wait3A_171 = arith.constant 0 : i32
    %dma_wait3A_172 = arith.constant 0 : i32
    %dma_wait3A_173 = tpu.memref_slice %arg3[%dma_wait3A_171, %dma_wait3A_172] : memref<100000x1024xf32, #tpu.memory_space<hbm>> -> memref<100000x1024xf32, #tpu.memory_space<hbm>>
    tpu.wait_indirect_dma semaphore(%arg11 : memref<!tpu.dma_semaphore, #tpu.memory_space<semaphore_mem>>) src(%dma_wait3A_173 : memref<100000x1024xf32, #tpu.memory_space<hbm>>) dst(%arg8 : memref<32x1024xf32, #tpu.memory_space<vmem>>)
    %add3A_174 = arith.constant 96 : i32
    %add3A_175 = arith.addi %mul3A_2, %add3A_174 : i32
    %dma_start3A_176 = arith.constant 0 : i32
    %dma_start3A_177 = tpu.memref_slice %arg5[%add3A_175, %dma_start3A_176] : memref<8192x1024xf32, #tpu.memory_space<hbm>> -> memref<32x1024xf32, #tpu.memory_space<hbm>>
    %dma_start3A_178 = arith.constant 0 : i32
    %dma_start3A_179 = tpu.memref_slice %arg5[%add3A_175, %dma_start3A_178] : memref<8192x1024xf32, #tpu.memory_space<hbm>> -> memref<32x1024xf32, #tpu.memory_space<hbm>>
    tpu.enqueue_dma source(%arg8 : memref<32x1024xf32, #tpu.memory_space<vmem>>) target(%dma_start3A_179 : memref<32x1024xf32, #tpu.memory_space<hbm>>) target_semaphore(%arg14 : memref<!tpu.dma_semaphore, #tpu.memory_space<semaphore_mem>>)
    %dma_wait3A_180 = arith.constant 0 : i32
    %dma_wait3A_181 = tpu.memref_slice %arg5[%add3A_175, %dma_wait3A_180] : memref<8192x1024xf32, #tpu.memory_space<hbm>> -> memref<32x1024xf32, #tpu.memory_space<hbm>>
    %dma_wait3A_182 = arith.constant 0 : i32
    %dma_wait3A_183 = tpu.memref_slice %arg5[%add3A_175, %dma_wait3A_182] : memref<8192x1024xf32, #tpu.memory_space<hbm>> -> memref<32x1024xf32, #tpu.memory_space<hbm>>
    tpu.wait_dma2 semaphore(%arg14 : memref<!tpu.dma_semaphore, #tpu.memory_space<semaphore_mem>>) src(%arg8 : memref<32x1024xf32, #tpu.memory_space<vmem>>) dst(%dma_wait3A_183 : memref<32x1024xf32, #tpu.memory_space<hbm>>)
    %dma_start3A_184 = arith.constant 192 : i32
    %dma_start3A_185 = tpu.memref_slice %arg6[%dma_start3A_184] : memref<256xi32, #tpu.memory_space<vmem>> -> memref<32xi32, #tpu.memory_space<vmem>>
    %dma_start3A_186 = arith.constant 0 : i32
    %dma_start3A_187 = arith.constant 0 : i32
    %dma_start3A_188 = tpu.memref_slice %arg3[%dma_start3A_186, %dma_start3A_187] : memref<100000x1024xf32, #tpu.memory_space<hbm>> -> memref<100000x1024xf32, #tpu.memory_space<hbm>>
    tpu.enqueue_indirect_dma source(%dma_start3A_188 : memref<100000x1024xf32, #tpu.memory_space<hbm>>) target(%arg8 : memref<32x1024xf32, #tpu.memory_space<vmem>>) offsets(%dma_start3A_185 : memref<32xi32, #tpu.memory_space<vmem>>) semaphore(%arg11 : memref<!tpu.dma_semaphore, #tpu.memory_space<semaphore_mem>>)
    %dma_wait3A_189 = arith.constant 128 : i32
    %dma_wait3A_190 = tpu.memref_slice %arg6[%dma_wait3A_189] : memref<256xi32, #tpu.memory_space<vmem>> -> memref<32xi32, #tpu.memory_space<vmem>>
    %dma_wait3A_191 = arith.constant 0 : i32
    %dma_wait3A_192 = arith.constant 0 : i32
    %dma_wait3A_193 = tpu.memref_slice %arg3[%dma_wait3A_191, %dma_wait3A_192] : memref<100000x1024xf32, #tpu.memory_space<hbm>> -> memref<100000x1024xf32, #tpu.memory_space<hbm>>
    tpu.wait_indirect_dma semaphore(%arg12 : memref<!tpu.dma_semaphore, #tpu.memory_space<semaphore_mem>>) src(%dma_wait3A_193 : memref<100000x1024xf32, #tpu.memory_space<hbm>>) dst(%arg9 : memref<32x1024xf32, #tpu.memory_space<vmem>>)
    %add3A_194 = arith.constant 128 : i32
    %add3A_195 = arith.addi %mul3A_2, %add3A_194 : i32
    %dma_start3A_196 = arith.constant 0 : i32
    %dma_start3A_197 = tpu.memref_slice %arg5[%add3A_195, %dma_start3A_196] : memref<8192x1024xf32, #tpu.memory_space<hbm>> -> memref<32x1024xf32, #tpu.memory_space<hbm>>
    %dma_start3A_198 = arith.constant 0 : i32
    %dma_start3A_199 = tpu.memref_slice %arg5[%add3A_195, %dma_start3A_198] : memref<8192x1024xf32, #tpu.memory_space<hbm>> -> memref<32x1024xf32, #tpu.memory_space<hbm>>
    tpu.enqueue_dma source(%arg9 : memref<32x1024xf32, #tpu.memory_space<vmem>>) target(%dma_start3A_199 : memref<32x1024xf32, #tpu.memory_space<hbm>>) target_semaphore(%arg15 : memref<!tpu.dma_semaphore, #tpu.memory_space<semaphore_mem>>)
    %dma_wait3A_200 = arith.constant 0 : i32
    %dma_wait3A_201 = tpu.memref_slice %arg5[%add3A_195, %dma_wait3A_200] : memref<8192x1024xf32, #tpu.memory_space<hbm>> -> memref<32x1024xf32, #tpu.memory_space<hbm>>
    %dma_wait3A_202 = arith.constant 0 : i32
    %dma_wait3A_203 = tpu.memref_slice %arg5[%add3A_195, %dma_wait3A_202] : memref<8192x1024xf32, #tpu.memory_space<hbm>> -> memref<32x1024xf32, #tpu.memory_space<hbm>>
    tpu.wait_dma2 semaphore(%arg15 : memref<!tpu.dma_semaphore, #tpu.memory_space<semaphore_mem>>) src(%arg9 : memref<32x1024xf32, #tpu.memory_space<vmem>>) dst(%dma_wait3A_203 : memref<32x1024xf32, #tpu.memory_space<hbm>>)
    %dma_start3A_204 = arith.constant 224 : i32
    %dma_start3A_205 = tpu.memref_slice %arg6[%dma_start3A_204] : memref<256xi32, #tpu.memory_space<vmem>> -> memref<32xi32, #tpu.memory_space<vmem>>
    %dma_start3A_206 = arith.constant 0 : i32
    %dma_start3A_207 = arith.constant 0 : i32
    %dma_start3A_208 = tpu.memref_slice %arg3[%dma_start3A_206, %dma_start3A_207] : memref<100000x1024xf32, #tpu.memory_space<hbm>> -> memref<100000x1024xf32, #tpu.memory_space<hbm>>
    tpu.enqueue_indirect_dma source(%dma_start3A_208 : memref<100000x1024xf32, #tpu.memory_space<hbm>>) target(%arg9 : memref<32x1024xf32, #tpu.memory_space<vmem>>) offsets(%dma_start3A_205 : memref<32xi32, #tpu.memory_space<vmem>>) semaphore(%arg12 : memref<!tpu.dma_semaphore, #tpu.memory_space<semaphore_mem>>)
    %dma_wait3A_209 = arith.constant 160 : i32
    %dma_wait3A_210 = tpu.memref_slice %arg6[%dma_wait3A_209] : memref<256xi32, #tpu.memory_space<vmem>> -> memref<32xi32, #tpu.memory_space<vmem>>
    %dma_wait3A_211 = arith.constant 0 : i32
    %dma_wait3A_212 = arith.constant 0 : i32
    %dma_wait3A_213 = tpu.memref_slice %arg3[%dma_wait3A_211, %dma_wait3A_212] : memref<100000x1024xf32, #tpu.memory_space<hbm>> -> memref<100000x1024xf32, #tpu.memory_space<hbm>>
    tpu.wait_indirect_dma semaphore(%arg13 : memref<!tpu.dma_semaphore, #tpu.memory_space<semaphore_mem>>) src(%dma_wait3A_213 : memref<100000x1024xf32, #tpu.memory_space<hbm>>) dst(%arg10 : memref<32x1024xf32, #tpu.memory_space<vmem>>)
    %add3A_214 = arith.constant 160 : i32
    %add3A_215 = arith.addi %mul3A_2, %add3A_214 : i32
    %dma_start3A_216 = arith.constant 0 : i32
    %dma_start3A_217 = tpu.memref_slice %arg5[%add3A_215, %dma_start3A_216] : memref<8192x1024xf32, #tpu.memory_space<hbm>> -> memref<32x1024xf32, #tpu.memory_space<hbm>>
    %dma_start3A_218 = arith.constant 0 : i32
    %dma_start3A_219 = tpu.memref_slice %arg5[%add3A_215, %dma_start3A_218] : memref<8192x1024xf32, #tpu.memory_space<hbm>> -> memref<32x1024xf32, #tpu.memory_space<hbm>>
    tpu.enqueue_dma source(%arg10 : memref<32x1024xf32, #tpu.memory_space<vmem>>) target(%dma_start3A_219 : memref<32x1024xf32, #tpu.memory_space<hbm>>) target_semaphore(%arg16 : memref<!tpu.dma_semaphore, #tpu.memory_space<semaphore_mem>>)
    %dma_wait3A_220 = arith.constant 192 : i32
    %dma_wait3A_221 = tpu.memref_slice %arg6[%dma_wait3A_220] : memref<256xi32, #tpu.memory_space<vmem>> -> memref<32xi32, #tpu.memory_space<vmem>>
    %dma_wait3A_222 = arith.constant 0 : i32
    %dma_wait3A_223 = arith.constant 0 : i32
    %dma_wait3A_224 = tpu.memref_slice %arg3[%dma_wait3A_222, %dma_wait3A_223] : memref<100000x1024xf32, #tpu.memory_space<hbm>> -> memref<100000x1024xf32, #tpu.memory_space<hbm>>
    tpu.wait_indirect_dma semaphore(%arg11 : memref<!tpu.dma_semaphore, #tpu.memory_space<semaphore_mem>>) src(%dma_wait3A_224 : memref<100000x1024xf32, #tpu.memory_space<hbm>>) dst(%arg8 : memref<32x1024xf32, #tpu.memory_space<vmem>>)
    %add3A_225 = arith.constant 192 : i32
    %add3A_226 = arith.addi %mul3A_2, %add3A_225 : i32
    %dma_start3A_227 = arith.constant 0 : i32
    %dma_start3A_228 = tpu.memref_slice %arg5[%add3A_226, %dma_start3A_227] : memref<8192x1024xf32, #tpu.memory_space<hbm>> -> memref<32x1024xf32, #tpu.memory_space<hbm>>
    %dma_start3A_229 = arith.constant 0 : i32
    %dma_start3A_230 = tpu.memref_slice %arg5[%add3A_226, %dma_start3A_229] : memref<8192x1024xf32, #tpu.memory_space<hbm>> -> memref<32x1024xf32, #tpu.memory_space<hbm>>
    tpu.enqueue_dma source(%arg8 : memref<32x1024xf32, #tpu.memory_space<vmem>>) target(%dma_start3A_230 : memref<32x1024xf32, #tpu.memory_space<hbm>>) target_semaphore(%arg14 : memref<!tpu.dma_semaphore, #tpu.memory_space<semaphore_mem>>)
    %dma_wait3A_231 = arith.constant 224 : i32
    %dma_wait3A_232 = tpu.memref_slice %arg6[%dma_wait3A_231] : memref<256xi32, #tpu.memory_space<vmem>> -> memref<32xi32, #tpu.memory_space<vmem>>
    %dma_wait3A_233 = arith.constant 0 : i32
    %dma_wait3A_234 = arith.constant 0 : i32
    %dma_wait3A_235 = tpu.memref_slice %arg3[%dma_wait3A_233, %dma_wait3A_234] : memref<100000x1024xf32, #tpu.memory_space<hbm>> -> memref<100000x1024xf32, #tpu.memory_space<hbm>>
    tpu.wait_indirect_dma semaphore(%arg12 : memref<!tpu.dma_semaphore, #tpu.memory_space<semaphore_mem>>) src(%dma_wait3A_235 : memref<100000x1024xf32, #tpu.memory_space<hbm>>) dst(%arg9 : memref<32x1024xf32, #tpu.memory_space<vmem>>)
    %add3A_236 = arith.constant 224 : i32
    %add3A_237 = arith.addi %mul3A_2, %add3A_236 : i32
    %dma_start3A_238 = arith.constant 0 : i32
    %dma_start3A_239 = tpu.memref_slice %arg5[%add3A_237, %dma_start3A_238] : memref<8192x1024xf32, #tpu.memory_space<hbm>> -> memref<32x1024xf32, #tpu.memory_space<hbm>>
    %dma_start3A_240 = arith.constant 0 : i32
    %dma_start3A_241 = tpu.memref_slice %arg5[%add3A_237, %dma_start3A_240] : memref<8192x1024xf32, #tpu.memory_space<hbm>> -> memref<32x1024xf32, #tpu.memory_space<hbm>>
    tpu.enqueue_dma source(%arg9 : memref<32x1024xf32, #tpu.memory_space<vmem>>) target(%dma_start3A_241 : memref<32x1024xf32, #tpu.memory_space<hbm>>) target_semaphore(%arg15 : memref<!tpu.dma_semaphore, #tpu.memory_space<semaphore_mem>>)
    %dma_wait3A_242 = arith.constant 0 : i32
    %dma_wait3A_243 = tpu.memref_slice %arg5[%add3A_226, %dma_wait3A_242] : memref<8192x1024xf32, #tpu.memory_space<hbm>> -> memref<32x1024xf32, #tpu.memory_space<hbm>>
    %dma_wait3A_244 = arith.constant 0 : i32
    %dma_wait3A_245 = tpu.memref_slice %arg5[%add3A_226, %dma_wait3A_244] : memref<8192x1024xf32, #tpu.memory_space<hbm>> -> memref<32x1024xf32, #tpu.memory_space<hbm>>
    tpu.wait_dma2 semaphore(%arg14 : memref<!tpu.dma_semaphore, #tpu.memory_space<semaphore_mem>>) src(%arg8 : memref<32x1024xf32, #tpu.memory_space<vmem>>) dst(%dma_wait3A_245 : memref<32x1024xf32, #tpu.memory_space<hbm>>)
    %dma_wait3A_246 = arith.constant 0 : i32
    %dma_wait3A_247 = tpu.memref_slice %arg5[%add3A_237, %dma_wait3A_246] : memref<8192x1024xf32, #tpu.memory_space<hbm>> -> memref<32x1024xf32, #tpu.memory_space<hbm>>
    %dma_wait3A_248 = arith.constant 0 : i32
    %dma_wait3A_249 = tpu.memref_slice %arg5[%add3A_237, %dma_wait3A_248] : memref<8192x1024xf32, #tpu.memory_space<hbm>> -> memref<32x1024xf32, #tpu.memory_space<hbm>>
    tpu.wait_dma2 semaphore(%arg15 : memref<!tpu.dma_semaphore, #tpu.memory_space<semaphore_mem>>) src(%arg9 : memref<32x1024xf32, #tpu.memory_space<vmem>>) dst(%dma_wait3A_249 : memref<32x1024xf32, #tpu.memory_space<hbm>>)
    %dma_wait3A_250 = arith.constant 0 : i32
    %dma_wait3A_251 = tpu.memref_slice %arg5[%add3A_215, %dma_wait3A_250] : memref<8192x1024xf32, #tpu.memory_space<hbm>> -> memref<32x1024xf32, #tpu.memory_space<hbm>>
    %dma_wait3A_252 = arith.constant 0 : i32
    %dma_wait3A_253 = tpu.memref_slice %arg5[%add3A_215, %dma_wait3A_252] : memref<8192x1024xf32, #tpu.memory_space<hbm>> -> memref<32x1024xf32, #tpu.memory_space<hbm>>
    tpu.wait_dma2 semaphore(%arg16 : memref<!tpu.dma_semaphore, #tpu.memory_space<semaphore_mem>>) src(%arg10 : memref<32x1024xf32, #tpu.memory_space<vmem>>) dst(%dma_wait3A_253 : memref<32x1024xf32, #tpu.memory_space<hbm>>)
    tpu.wait_dma2 semaphore(%arg17 : memref<!tpu.dma_semaphore, #tpu.memory_space<semaphore_mem>>) src(%arg4 : memref<3x1024xf32, #tpu.memory_space<hbm>>) dst(%arg7 : memref<3x1024xf32, #tpu.memory_space<vmem>>)
    %slice3A = vector.extract_strided_slice %min3A_95 {offsets = [0], sizes = [1], strides = [1]} : vector<16xi32> to vector<1xi32>
    %squeeze3A = vector.extract %slice3A[0] : i32 from vector<1xi32>
    %lt3A_254 = arith.constant 3 : i32
    %lt3A_255 = arith.cmpi slt, %squeeze3A, %lt3A_254 : i32
    %convert_element_type3A = arith.extui %lt3A_255 : i1 to i32
    %cond3A = arith.constant 0 : i32
    %cond3A_256 = arith.cmpi ne, %convert_element_type3A, %cond3A : i32
    scf.if %cond3A_256 {
      %scan3A_257 = arith.constant 0 : i32
      %scan3A_258 = arith.constant 0 : i32
      %scan3A_259 = arith.constant 16 : i32
      %scan3A_260 = arith.addi %scan3A_258, %scan3A_259 : i32
      %scan3A_261 = arith.constant 1 : i32
      scf.for %scan3A_263 = %scan3A_258 to %scan3A_260 step %scan3A_261  : i32 {
        %mul3A_264 = arith.constant 16 : i32
        %mul3A_265 = arith.muli %scan3A_263, %mul3A_264 : i32
        %multiple_of3A_266 = tpu.assume_multiple %mul3A_265, 16 : i32
        %get3A_267 = arith.index_cast %multiple_of3A_266 : i32 to index
        %get3A_268 = tpu.vector_load %arg6[%get3A_267] {strides = array<i32>} : memref<256xi32, #tpu.memory_space<vmem>>, vector<16xi32>,
        %get3A_269 = vector.shape_cast %get3A_268 : vector<16xi32> to vector<16xi32>
        %xor3A_270 = arith.constant 1 : i32
        %xor3A_271 = vector.broadcast %xor3A_270 : i32 to vector<16xi32>
        %xor3A_272 = arith.xori %iota3A, %xor3A_271 : vector<16xi32>
        %lt3A_273 = arith.constant 0 : i32
        %lt3A_274 = vector.broadcast %lt3A_273 : i32 to vector<16xi32>
        %lt3A_275 = arith.cmpi slt, %xor3A_272, %lt3A_274 : vector<16xi32>
        %add3A_276 = arith.constant 16 : i32
        %add3A_277 = vector.broadcast %add3A_276 : i32 to vector<16xi32>
        %add3A_278 = arith.addi %xor3A_272, %add3A_277 : vector<16xi32>
        %select_n3A_279 = arith.select %lt3A_275, %add3A_278, %xor3A_272 : vector<16xi1>, vector<16xi32>
        %broadcast_in_dim3A_280 = vector.shape_cast %select_n3A_279 : vector<16xi32> to vector<16x1xi32>
        %gather3A_281 = vector.shape_cast %broadcast_in_dim3A_280 : vector<16x1xi32> to vector<16xi32>
        %gather3A_282 = tpu.dynamic_gather %get3A_269[%gather3A_281] in [0] : vector<16xi32>, vector<16xi32> -> vector<16xi32>
        %min3A_283 = arith.minsi %get3A_269, %gather3A_282 : vector<16xi32>
        %xor3A_284 = arith.constant 2 : i32
        %xor3A_285 = vector.broadcast %xor3A_284 : i32 to vector<16xi32>
        %xor3A_286 = arith.xori %iota3A, %xor3A_285 : vector<16xi32>
        %lt3A_287 = arith.constant 0 : i32
        %lt3A_288 = vector.broadcast %lt3A_287 : i32 to vector<16xi32>
        %lt3A_289 = arith.cmpi slt, %xor3A_286, %lt3A_288 : vector<16xi32>
        %add3A_290 = arith.constant 16 : i32
        %add3A_291 = vector.broadcast %add3A_290 : i32 to vector<16xi32>
        %add3A_292 = arith.addi %xor3A_286, %add3A_291 : vector<16xi32>
        %select_n3A_293 = arith.select %lt3A_289, %add3A_292, %xor3A_286 : vector<16xi1>, vector<16xi32>
        %broadcast_in_dim3A_294 = vector.shape_cast %select_n3A_293 : vector<16xi32> to vector<16x1xi32>
        %gather3A_295 = vector.shape_cast %broadcast_in_dim3A_294 : vector<16x1xi32> to vector<16xi32>
        %gather3A_296 = tpu.dynamic_gather %min3A_283[%gather3A_295] in [0] : vector<16xi32>, vector<16xi32> -> vector<16xi32>
        %min3A_297 = arith.minsi %min3A_283, %gather3A_296 : vector<16xi32>
        %xor3A_298 = arith.constant 4 : i32
        %xor3A_299 = vector.broadcast %xor3A_298 : i32 to vector<16xi32>
        %xor3A_300 = arith.xori %iota3A, %xor3A_299 : vector<16xi32>
        %lt3A_301 = arith.constant 0 : i32
        %lt3A_302 = vector.broadcast %lt3A_301 : i32 to vector<16xi32>
        %lt3A_303 = arith.cmpi slt, %xor3A_300, %lt3A_302 : vector<16xi32>
        %add3A_304 = arith.constant 16 : i32
        %add3A_305 = vector.broadcast %add3A_304 : i32 to vector<16xi32>
        %add3A_306 = arith.addi %xor3A_300, %add3A_305 : vector<16xi32>
        %select_n3A_307 = arith.select %lt3A_303, %add3A_306, %xor3A_300 : vector<16xi1>, vector<16xi32>
        %broadcast_in_dim3A_308 = vector.shape_cast %select_n3A_307 : vector<16xi32> to vector<16x1xi32>
        %gather3A_309 = vector.shape_cast %broadcast_in_dim3A_308 : vector<16x1xi32> to vector<16xi32>
        %gather3A_310 = tpu.dynamic_gather %min3A_297[%gather3A_309] in [0] : vector<16xi32>, vector<16xi32> -> vector<16xi32>
        %min3A_311 = arith.minsi %min3A_297, %gather3A_310 : vector<16xi32>
        %xor3A_312 = arith.constant 8 : i32
        %xor3A_313 = vector.broadcast %xor3A_312 : i32 to vector<16xi32>
        %xor3A_314 = arith.xori %iota3A, %xor3A_313 : vector<16xi32>
        %lt3A_315 = arith.constant 0 : i32
        %lt3A_316 = vector.broadcast %lt3A_315 : i32 to vector<16xi32>
        %lt3A_317 = arith.cmpi slt, %xor3A_314, %lt3A_316 : vector<16xi32>
        %add3A_318 = arith.constant 16 : i32
        %add3A_319 = vector.broadcast %add3A_318 : i32 to vector<16xi32>
        %add3A_320 = arith.addi %xor3A_314, %add3A_319 : vector<16xi32>
        %select_n3A_321 = arith.select %lt3A_317, %add3A_320, %xor3A_314 : vector<16xi1>, vector<16xi32>
        %broadcast_in_dim3A_322 = vector.shape_cast %select_n3A_321 : vector<16xi32> to vector<16x1xi32>
        %gather3A_323 = vector.shape_cast %broadcast_in_dim3A_322 : vector<16x1xi32> to vector<16xi32>
        %gather3A_324 = tpu.dynamic_gather %min3A_311[%gather3A_323] in [0] : vector<16xi32>, vector<16xi32> -> vector<16xi32>
        %min3A_325 = arith.minsi %min3A_311, %gather3A_324 : vector<16xi32>
        %slice3A_326 = vector.extract_strided_slice %min3A_325 {offsets = [0], sizes = [1], strides = [1]} : vector<16xi32> to vector<1xi32>
        %squeeze3A_327 = vector.extract %slice3A_326[0] : i32 from vector<1xi32>
        %lt3A_328 = arith.constant 3 : i32
        %lt3A_329 = arith.cmpi slt, %squeeze3A_327, %lt3A_328 : i32
        %convert_element_type3A_330 = arith.extui %lt3A_329 : i1 to i32
        %cond3A_331 = arith.constant 0 : i32
        %cond3A_332 = arith.cmpi ne, %convert_element_type3A_330, %cond3A_331 : i32
        scf.if %cond3A_332 {
          %scan3A_333 = arith.constant 0 : i32
          %scan3A_334 = arith.constant 0 : i32
          %scan3A_335 = arith.constant 16 : i32
          %scan3A_336 = arith.addi %scan3A_334, %scan3A_335 : i32
          %scan3A_337 = arith.constant 1 : i32
          scf.for %scan3A_339 = %scan3A_334 to %scan3A_336 step %scan3A_337  : i32 {
            %add3A_340 = vector.broadcast %scan3A_339 : i32 to vector<16xi32>
            %add3A_341 = arith.addi %iota3A, %add3A_340 : vector<16xi32>
            %and3A_342 = arith.constant 15 : i32
            %and3A_343 = vector.broadcast %and3A_342 : i32 to vector<16xi32>
            %and3A_344 = arith.andi %add3A_341, %and3A_343 : vector<16xi32>
            %lt3A_345 = arith.constant 0 : i32
            %lt3A_346 = vector.broadcast %lt3A_345 : i32 to vector<16xi32>
            %lt3A_347 = arith.cmpi slt, %and3A_344, %lt3A_346 : vector<16xi32>
            %add3A_348 = arith.constant 16 : i32
            %add3A_349 = vector.broadcast %add3A_348 : i32 to vector<16xi32>
            %add3A_350 = arith.addi %and3A_344, %add3A_349 : vector<16xi32>
            %select_n3A_351 = arith.select %lt3A_347, %add3A_350, %and3A_344 : vector<16xi1>, vector<16xi32>
            %broadcast_in_dim3A_352 = vector.shape_cast %select_n3A_351 : vector<16xi32> to vector<16x1xi32>
            %gather3A_353 = vector.shape_cast %broadcast_in_dim3A_352 : vector<16x1xi32> to vector<16xi32>
            %gather3A_354 = tpu.dynamic_gather %get3A_269[%gather3A_353] in [0] : vector<16xi32>, vector<16xi32> -> vector<16xi32>
            %slice3A_355 = vector.extract_strided_slice %gather3A_354 {offsets = [0], sizes = [1], strides = [1]} : vector<16xi32> to vector<1xi32>
            %squeeze3A_356 = vector.extract %slice3A_355[0] : i32 from vector<1xi32>
            %lt3A_357 = arith.constant 3 : i32
            %lt3A_358 = arith.cmpi slt, %squeeze3A_356, %lt3A_357 : i32
            %convert_element_type3A_359 = arith.extui %lt3A_358 : i1 to i32
            %cond3A_360 = arith.constant 0 : i32
            %cond3A_361 = arith.cmpi ne, %convert_element_type3A_359, %cond3A_360 : i32
            scf.if %cond3A_361 {
              %mul3A_362 = arith.constant 16 : i32
              %mul3A_363 = arith.muli %scan3A_263, %mul3A_362 : i32
              %add3A_364 = arith.addi %mul3A_2, %mul3A_363 : i32
              %add3A_365 = arith.addi %add3A_364, %scan3A_339 : i32
              "tpu.region"() ({
                %run_scoped3A = tpu.sem_alloc : memref<!tpu.dma_semaphore, #tpu.memory_space<semaphore_mem>>
                %dma_start3A_366 = arith.constant 0 : i32
                %dma_start3A_367 = tpu.memref_slice %arg7[%squeeze3A_356, %dma_start3A_366] : memref<3x1024xf32, #tpu.memory_space<vmem>> -> memref<1x1024xf32, #tpu.memory_space<vmem>>
                %dma_start3A_368 = tpu.memref_squeeze %dma_start3A_367 : memref<1x1024xf32, #tpu.memory_space<vmem>> -> memref<1024xf32, #tpu.memory_space<vmem>>
                %dma_start3A_369 = arith.constant 0 : i32
                %dma_start3A_370 = tpu.memref_slice %arg5[%add3A_365, %dma_start3A_369] : memref<8192x1024xf32, #tpu.memory_space<hbm>> -> memref<1x1024xf32, #tpu.memory_space<hbm>>
                %dma_start3A_371 = tpu.memref_squeeze %dma_start3A_370 : memref<1x1024xf32, #tpu.memory_space<hbm>> -> memref<1024xf32, #tpu.memory_space<hbm>>
                %dma_start3A_372 = arith.constant 0 : i32
                %dma_start3A_373 = tpu.memref_slice %arg5[%add3A_365, %dma_start3A_372] : memref<8192x1024xf32, #tpu.memory_space<hbm>> -> memref<1x1024xf32, #tpu.memory_space<hbm>>
                %dma_start3A_374 = tpu.memref_squeeze %dma_start3A_373 : memref<1x1024xf32, #tpu.memory_space<hbm>> -> memref<1024xf32, #tpu.memory_space<hbm>>
                %dma_start3A_375 = arith.constant 0 : i32
                %dma_start3A_376 = tpu.memref_slice %arg7[%squeeze3A_356, %dma_start3A_375] : memref<3x1024xf32, #tpu.memory_space<vmem>> -> memref<1x1024xf32, #tpu.memory_space<vmem>>
                %dma_start3A_377 = tpu.memref_squeeze %dma_start3A_376 : memref<1x1024xf32, #tpu.memory_space<vmem>> -> memref<1024xf32, #tpu.memory_space<vmem>>
                tpu.enqueue_dma source(%dma_start3A_377 : memref<1024xf32, #tpu.memory_space<vmem>>) target(%dma_start3A_374 : memref<1024xf32, #tpu.memory_space<hbm>>) target_semaphore(%run_scoped3A : memref<!tpu.dma_semaphore, #tpu.memory_space<semaphore_mem>>)
                %dma_wait3A_378 = arith.constant 0 : i32
                %dma_wait3A_379 = tpu.memref_slice %arg7[%squeeze3A_356, %dma_wait3A_378] : memref<3x1024xf32, #tpu.memory_space<vmem>> -> memref<1x1024xf32, #tpu.memory_space<vmem>>
                %dma_wait3A_380 = tpu.memref_squeeze %dma_wait3A_379 : memref<1x1024xf32, #tpu.memory_space<vmem>> -> memref<1024xf32, #tpu.memory_space<vmem>>
                %dma_wait3A_381 = arith.constant 0 : i32
                %dma_wait3A_382 = tpu.memref_slice %arg5[%add3A_365, %dma_wait3A_381] : memref<8192x1024xf32, #tpu.memory_space<hbm>> -> memref<1x1024xf32, #tpu.memory_space<hbm>>
                %dma_wait3A_383 = tpu.memref_squeeze %dma_wait3A_382 : memref<1x1024xf32, #tpu.memory_space<hbm>> -> memref<1024xf32, #tpu.memory_space<hbm>>
                %dma_wait3A_384 = arith.constant 0 : i32
                %dma_wait3A_385 = tpu.memref_slice %arg5[%add3A_365, %dma_wait3A_384] : memref<8192x1024xf32, #tpu.memory_space<hbm>> -> memref<1x1024xf32, #tpu.memory_space<hbm>>
                %dma_wait3A_386 = tpu.memref_squeeze %dma_wait3A_385 : memref<1x1024xf32, #tpu.memory_space<hbm>> -> memref<1024xf32, #tpu.memory_space<hbm>>
                %dma_wait3A_387 = arith.constant 0 : i32
                %dma_wait3A_388 = tpu.memref_slice %arg7[%squeeze3A_356, %dma_wait3A_387] : memref<3x1024xf32, #tpu.memory_space<vmem>> -> memref<1x1024xf32, #tpu.memory_space<vmem>>
                %dma_wait3A_389 = tpu.memref_squeeze %dma_wait3A_388 : memref<1x1024xf32, #tpu.memory_space<vmem>> -> memref<1024xf32, #tpu.memory_space<vmem>>
                tpu.wait_dma2 semaphore(%run_scoped3A : memref<!tpu.dma_semaphore, #tpu.memory_space<semaphore_mem>>) src(%dma_wait3A_389 : memref<1024xf32, #tpu.memory_space<vmem>>) dst(%dma_wait3A_386 : memref<1024xf32, #tpu.memory_space<hbm>>)
                tpu.yield
              }) : () -> ()
            } else {
            }
          }
          %scan3A_338 = arith.constant 16 : i32
        } else {
        }
      }
      %scan3A_262 = arith.constant 16 : i32
    } else {
    }
    return
  }
}

</mosaic_0001>

<sc_bundles>
// kernel: _run.3.cloned.1.call-start
scs
__scs_entry_jumppad:
0x0: {  	(pc) =	sbr.rel $0x88, $3  }
0x1: {  	(tag) =	ssettag $0x0;
	lr =	simm.s32 $0x1  }
0x2: {  	[smem:$0x3F9E] =	sst lr;
	_ =	strace $0xD0000000  }
0x3: {  	_ = 	snop  }
0x4: {  	_ = 	snop  }
0x5: {  	_ = 	snop  }
0x6: {  	_ = 	snop  }
0x7: {  	_ = 	snop  }
__scs_overlays_trampoline_lowered:
0x8: {  	[smem:$0x3FAD] =	sst s0  }
0x9: {  	[smem:$0x3FAE] =	sst s1  }
0xa: {  	[smem:$0x3FAF] =	sst s2  }
0xb: {  	[smem:$0x3FB0] =	sst s3  }
0xc: {  	[smem:$0x3FB1] =	sst s4  }
0xd: {  	[smem:$0x3FB2] =	sst s5  }
0xe: {  	[smem:$0x3FB3] =	sst s6  }
0xf: {  	[smem:$0x3FB4] =	sst s7  }
0x10: {  	[smem:$0x3FB5] =	sst s8  }
0x11: {  	[smem:$0x3FB6] =	sst s9;
	s0 =	simm.s32 @!p0 $0x0  }
0x12: {  	s1 =	sld [smem:$0x3F9C];
	s0 =	simm.s32 @p0 $0x1  }
0x13: {  	[smem:$0x3FB7] =	sst s0;
	s0 =	simm.s32 @!p1 $0x0  }
0x14: {  	s2 =	sld [smem:$0x3F9B];
	s0 =	simm.s32 @p1 $0x1  }
0x15: {  	[smem:$0x3FB8] =	sst s0;
	s0 =	simm.s32 @!p2 $0x0  }
0x16: {  	s3 =	sld [smem:$0x3FDB];
	s0 =	simm.s32 @p2 $0x1  }
0x17: {  	s4 =	simm.s32 $0x1BF5;
	[smem:$0x3FBA] =	sst s0  }
0x18: {  	s0 =	sld [smem:$0x3F9D];
	_ =	swait.ge [sflag:s4], $0x0  }
0x19: {  	s7 =	sld [smem:$0x3F9E]  }
0x1a: {  	s8 =	sadd.s32 $0xFFFFE003, lr  }
0x1b: {  	s9 =	sadd.s32 $0xFFFFFEF7, lr;
	s5 =	simm.s32 $0xFFFFFFFF;
	p2 =	slt.u32 s8, $0xFFFFF086  }
0x1c: {  	p1 =	slt.u32 s9, $0xF7A;
	s5 =	simm.s32 @!p2 $0x0  }
0x1d: {  	s5 =	simm.s32 @p1 $0x1;
	p0 =	seq.s32 s7, s2  }
0x1e: {  	s7 =	smul.u32 @!p0 $0xF7A, s2;
	p2 =	seq.s32 @!p0 s5, $0x0  }
0x1f: {  	s9 =	smul.u32 $0xF7A, s1;
	s8 =	simm.s32 @!p0 $0x1BF5;
	p2 =	por !p2, p0  }
0x20: {  	[sflag:s8] =	ssyncset.s32 @!p0 $0xFFFFF086;
	s6 =	sadd.s32 @!p0 s3, s7;
	s7 =	simm.s32 @!p0 $0x108  }
0x21: {  	s3 =	sadd.s32 s3, s9;
	s6 =	sadd.s32 @!p0 $0x88, s6;
	s7 =	simm.s32 @p2 $0x1082  }
0x22: {  	[simem:s7], [sflag:s8] =	dma.local @!p0 [hbm:s6], $0xF7A  }
0x23: {  	s9 =	sor.u32 $0xD0000000, s2;
	s6 =	simm.s32 $0x108;
	_ =	swait.ge @!p0 [sflag:s8], $0x0  }
0x24: {  	s3 =	sadd.s32 $0x88, s3;
	s6 =	simm.s32 @!p1 $0x1082;
	[sflag:s4] =	ssyncset.s32 $0xFFFFF086  }
0x25: {  	[simem:s6], [sflag:s4] =	dma.local [hbm:s3], $0xF7A  }
0x26: {  	[smem:$0x3F9E] =	sst s1;
	(tag) =	ssettag s2;
	_ =	strace s9  }
0x27: {  	s1 =	sld [smem:$0x3FAE]  }
0x28: {  	s2 =	sld [smem:$0x3FAF]  }
0x29: {  	s4 =	sld [smem:$0x3FB1]  }
0x2a: {  	p0 =	seq.s32 s5, $0x0;
	s5 =	sld [smem:$0x3FB2]  }
0x2b: {  	s6 =	sld [smem:$0x3FB3]  }
0x2c: {  	s7 =	sld [smem:$0x3FB4]  }
0x2d: {  	s3 =	simm.s32 $0x108;
	s8 =	sld [smem:$0x3FB5]  }
0x2e: {  	s3 =	simm.s32 @!p0 $0x1082;
	s9 =	sld [smem:$0x3FB6]  }
0x2f: {  	lr =	sadd.s32 s0, s3;
	s0 =	sld [smem:$0x3FAD]  }
0x30: {  	s3 =	sld [smem:$0x3FB0]  }
0x31: {  	[smem:$0x3FB9] =	sst s10  }
0x32: {  	s10 =	sld [smem:$0x3FB7];
	_ =	sdelay $0x3  }
0x33: {  	p0 =	seq.s32 s10, $0x1;
	s10 =	sld [smem:$0x3FB9];
	_ =	sdelay $0x3  }
0x34: {  	[smem:$0x3FB9] =	sst s10  }
0x35: {  	s10 =	sld [smem:$0x3FB8];
	_ =	sdelay $0x3  }
0x36: {  	p1 =	seq.s32 s10, $0x1;
	s10 =	sld [smem:$0x3FB9];
	_ =	sdelay $0x3  }
0x37: {  	[smem:$0x3FB9] =	sst s10  }
0x38: {  	s10 =	sld [smem:$0x3FBA]  }
0x39: {  	_ = 	snop;
	(pc) =	sbr.ind lr, $3  }
0x3a: {  	_ = 	snop  }
0x3b: {  	_ = 	snop  }
0x3c: {  	p2 =	seq.s32 s10, $0x1;
	s10 =	sld [smem:$0x3FB9]  }
0x3d: {  	_ =	shalt  }
0x3e: {  	_ =	shalt  }
0x3f: {  	_ =	shalt  }
0x40: {  	_ =	shalt  }
0x41: {  	_ =	shalt  }
0x42: {  	_ =	shalt  }
0x43: {  	_ =	shalt  }
0x44: {  	_ =	shalt  }
0x45: {  	_ =	shalt  }
0x46: {  	_ =	shalt  }
0x47: {  	_ =	shalt  }
0x48: {  	_ =	shalt  }
0x49: {  	_ =	shalt  }
0x4a: {  	_ =	shalt  }
0x4b: {  	_ =	shalt  }
0x4c: {  	_ =	shalt  }
0x4d: {  	_ =	shalt  }
0x4e: {  	_ =	shalt  }
0x4f: {  	_ =	shalt  }
0x50: {  	_ =	shalt  }
0x51: {  	_ =	shalt  }
0x52: {  	_ =	shalt  }
0x53: {  	_ =	shalt  }
0x54: {  	_ =	shalt  }
0x55: {  	_ =	shalt  }
0x56: {  	_ =	shalt  }
0x57: {  	_ =	shalt  }
0x58: {  	_ =	shalt  }
0x59: {  	_ =	shalt  }
0x5a: {  	_ =	shalt  }
0x5b: {  	_ =	shalt  }
0x5c: {  	_ =	shalt  }
0x5d: {  	_ =	shalt  }
0x5e: {  	_ =	shalt  }
0x5f: {  	_ =	shalt  }
0x60: {  	_ =	shalt  }
0x61: {  	_ =	shalt  }
0x62: {  	_ =	shalt  }
0x63: {  	_ =	shalt  }
0x64: {  	_ =	shalt  }
0x65: {  	_ =	shalt  }
0x66: {  	_ =	shalt  }
0x67: {  	_ =	shalt  }
0x68: {  	_ =	shalt  }
0x69: {  	_ =	shalt  }
0x6a: {  	_ =	shalt  }
0x6b: {  	_ =	shalt  }
0x6c: {  	_ =	shalt  }
0x6d: {  	_ =	shalt  }
0x6e: {  	_ =	shalt  }
0x6f: {  	_ =	shalt  }
0x70: {  	_ =	shalt  }
0x71: {  	_ =	shalt  }
0x72: {  	_ =	shalt  }
0x73: {  	_ =	shalt  }
0x74: {  	_ =	shalt  }
0x75: {  	_ =	shalt  }
0x76: {  	_ =	shalt  }
0x77: {  	_ =	shalt  }
0x78: {  	_ =	shalt  }
0x79: {  	_ =	shalt  }
0x7a: {  	_ =	shalt  }
0x7b: {  	_ =	shalt  }
0x7c: {  	_ =	shalt  }
0x7d: {  	_ =	shalt  }
0x7e: {  	_ =	shalt  }
0x7f: {  	_ =	shalt  }
0x80: {  	_ =	shalt  }
0x81: {  	_ =	shalt  }
0x82: {  	_ =	shalt  }
0x83: {  	_ =	shalt  }
0x84: {  	_ =	shalt  }
0x85: {  	_ =	shalt  }
0x86: {  	_ =	shalt  }
0x87: {  	_ =	shalt  }
.Lfunc_end0:
.L_simem_size_0:
called_computation_lowered:
.L_overlay_start_0:
0x88: {  	s2 =	sld [smem:$0x3FD9]  }
0x89: {  	s3 =	sld [smem:$0x3FFE];
	_ =	sdelay $0x1  }
0x8a: {  	s1 =	srdreg.scid  }
0x8b: {  	s0 =	sand.u32 $0x1, s1  }
0x8c: {  	s18 =	sshll.u32 s0, $0xA;
	s2 =	sadd.s32 s3, s2  }
0x8d: {  	s2 =	sadd.s32 s2, s18  }
0x8e: {  	[smem:$0x3FC5] =	sst s2  }
0x8f: {  	_ = 	snop  }
0x90: {  	s2 =	sld [smem:$0x3FC9]  }
0x91: {  	s19 =	sld [smem:$0x3FC8]  }
0x92: {  	s4 =	sld [smem:$0x3FC7]  }
0x93: {  	s5 =	sld [smem:$0x3FD0];
	(tm) =	ssettm $0x1  }
0x94: {  	s6 =	sld [smem:$0x3FFB];
	_ =	sdelay $0x3  }
0x95: {  	_ =	strace s6  }
0x96: {  	s6 =	sld [smem:$0x3FFC];
	_ =	sdelay $0x3  }
0x97: {  	_ =	strace s6  }
0x98: {  	s6 =	sld [smem:$0x3FFD];
	_ =	sdelay $0x3  }
0x99: {  	_ =	strace s6  }
0x9a: {  	_ =	strace $0x8FFFFFFF  }
0x9b: {  	s20 =	sld [smem:$0x3FDB];
	_ =	sdelay $0x1  }
0x9c: {  	s7 =	simm.s32 $_scs_section_size  }
0x9d: {  	s8 =	simm.s32 $_size__tile_overlayer_lowered;
	s9 =	simm.s32 $_tile_overlayer_lowered  }
0x9e: {  	s23 =	simm.s32 $0x1BFF;
	s22 =	sshll.u32 s9, $0x1;
	s6 =	sadd.s32 s7, s20  }
0x9f: {  	s10 =	simm.s32 $0x0;
	s21 =	sshll.u32 s8, $0x1;
	s8 =	sadd.s32 s22, s6  }
0xa0: {  	[timem:s10], [sflag:s23] =	dma.local [hbm:s8], s21  }
0xa1: {  	_ =	swait.ge [sflag:s23], s21  }
0xa2: {  	s7 =	ssub.s32 $0x0, s21;
	[sflag:s23] =	ssyncset.done $0x0  }
0xa3: {  	[sflag:s23] =	ssyncadd.s32 s7;
	_ =	sdelay $0x1  }
0xa4: {  	s24 =	simm.s32 $0x1B8B  }
0xa5: {  	_ =	swait.ge [sflag:s24], $0x1  }
0xa6: {  	[sflag:s24] =	ssyncset.done $0x0  }
0xa7: {  	s25 =	simm.s32 $0x1B8E;
	[sflag:s24] =	ssyncadd.s32 $0xFFFFFFFF  }
0xa8: {  	s26 =	simm.s32 $execute0_lowered;
	[smem:$0x3FD2] =	sst s25  }
0xa9: {  	s7 =	sshll.u32 s26, $0x1;
	_ =	strace $0x80000046;
	[dreg:$0x1] =	wrdreg $0xFFFFFFFF  }
0xaa: {  	s28 =	simm.s32 $_size_execute0_lowered;
	s6 =	sadd.s32 s6, s7;
	[dreg:$0x0] =	wrdreg $0x0  }
0xab: {  	s7 =	sshll.u32 s28, $0x1;
	[dreg:$0x2] =	wrdreg s6  }
0xac: {  	[dreg:$0x3] =	wrdreg s7  }
0xad: {  	[dreg:$0x4] =	wrdreg $0xC0  }
0xae: {  	_ =	task [dreg:s10], $0x5FFFF  }
0xaf: {  	[dreg:$0x1] =	wrdreg $0xFFFFFFFF  }
0xb0: {  	[dreg:$0x0] =	wrdreg $0x60  }
0xb1: {  	[dreg:$0x2] =	wrdreg s2  }
0xb2: {  	[dreg:$0x3] =	wrdreg s19  }
0xb3: {  	[dreg:$0x4] =	wrdreg s4  }
0xb4: {  	[dreg:$0x5] =	wrdreg s5  }
0xb5: {  	[dreg:$0x6] =	wrdreg $0x9  }
0xb6: {  	_ =	task.clear_ibuf [dreg:s10], $0x7FFFF;
	_ =	strace $0x90000046  }
0xb7: {  	s29 =	simm.s32 $0x9;
	_ =	strace $0x80000048  }
0xb8: {  	_ =	swait.ge [sflag:s29], $0x1  }
0xb9: {  	[sflag:s29] =	ssyncadd.s32 $0xFFFFFFFF  }
0xba: {  	_ =	strace $0x90000048  }
0xbb: {  	_ =	sfence  }
0xbc: {  	s30 =	sld [smem:$0x0];
	_ =	sdelay $0x2  }
0xbd: {  	s31 =	sshll.u32 s1, $0xD;
	s1 =	sshrl.u32 s1, $0x2  }
0xbe: {  	s3 =	sand.u32 $0x4000, s31;
	s1 =	sadd.s32 s1, s30  }
0xbf: {  	s0 =	sor.u32 s3, s0;
	s1 =	sshll.u32 s1, $0x11  }
0xc0: {  	s0 =	sor.u32 s1, s0  }
0xc1: {  	s0 =	sadd.s32 $0x8F2B, s0  }
0xc2: {  	[sflag:s0] =	ssyncadd.remote.s32 $0x1  }
0xc3: {  	_ =	sfence.sel $0xFFFF  }
0xc4: {  	[dreg:$0x0] =	wrdreg $0xFFFFFFFF;
	(pc) =	sbr.abs _section_cstart, $3  }
0xc5: {  	[dreg:$0x1] =	wrdreg $0xFFFFFFFF  }
0xc6: {  	_ =	task.clear_ibuf [dreg:s10], $0x2FFFF;
	_ =	strace $0x9FFFFFFF  }
0xc7: {  	(tm) =	ssettm $0x7FFFFFFF  }
tec
execute0_lowered:
.L_overlay_start_1:
0x0: {  	(tag) =	ssettag $0x1  }
0x1: {  	s0 =	srdreg.scid;
	s2 =	rddreg [dreg:$0x0]  }
0x2: {  	s11 =	stileid.u32;
	s1 =	rddreg [dreg:$0x1];
	s5 =	simm.s32 $0x0  }
0x3: {  	s21 =	simm.s32 $0x0;
	s0 =	sand.u32 $0x1, s0;
	s3 =	sshll.u32 s11, $0x9  }
0x4: {  	[smem:$0x7FF] =	sst s5;
	s30 =	sshll.u32 s11, $0x10;
	s4 =	sshll.u32 s0, $0x8  }
0x5: {  	s22 =	ssub.s32 $0x2, s0;
	s0 =	sshll.u32 s0, $0xF;
	s3 =	sor.u32 s4, s3  }
0x6: {  	s4 =	rddreg [dreg:$0x3];
	_ =	strace $0x80000047;
	s8 =	sshrl.u32 s22, $0x1  }
0x7: {  	v0 =	vimm.s32 $0xEFCDAB89;
	v1 =	vimm.s32 $0x67452301;
	s0 =	sor.u32 s0, s30;
	s6 =	sshll.u32 s3, $0x2;
	s23 =	sshll.u32 s3, $0x7  }
0x8: {  	v2 =	vimm.s32 $0xDCFE98BA;
	v3 =	vimm.s32 $0x54761032;
	v4 =	vimm.s32 $0xBA98FEDC;
	s9 =	ssub.s32 s22, s8;
	[dreg:$0xf] =	wrdreg s0;
	s3 =	sadd.s32 s4, s23  }
0x9: {  	v5 =	vimm.s32 $0x32107654;
	v6 =	vimm.s32 $0xFEDCBA98;
	v7 =	vimm.s32 $0x76543210;
	s7 =	sshll.u32 s11, $0x5;
	s31 =	smax.u32 s9, $0x1;
	[dreg:$0x6] =	wrdreg s3  }
0xa: {  	s10 =	sadd.s32 $0x300, s1;
	v0 =	vunpack.c.l.s4.s8 v0;
	v1 =	vunpack.c.l.s4.s8 v1;
	v2 =	vunpack.c.l.s4.s8 v2;
	s24 =	sadd.s32 $0x2000, s3;
	[dreg:$0xe] =	wrdreg s31  }
0xb: {  	v3 =	vunpack.c.l.s4.s8 v3;
	v4 =	vunpack.c.l.s4.s8 v4;
	v5 =	vunpack.c.l.s4.s8 v5;
	s6 =	sor.u32 s7, s6;
	s25 =	sadd.s32 $0x3000, s3;
	[dreg:$0x8] =	wrdreg s24  }
0xc: {  	v6 =	vunpack.c.l.s4.s8 v6;
	v7 =	vunpack.c.l.s4.s8 v7;
	v0 =	vunpack.c.0.s8.s32 v0;
	s6 =	sand.u32 $0x1D80, s6;
	s26 =	sadd.s32 $0x4000, s3;
	[dreg:$0x9] =	wrdreg s25  }
0xd: {  	v1 =	vunpack.c.0.s8.s32 v1;
	v2 =	vunpack.c.0.s8.s32 v2;
	v3 =	vunpack.c.0.s8.s32 v3;
	s28 =	sadd.s32 $0x5000, s3;
	s29 =	sadd.s32 $0x6000, s3;
	[dreg:$0xa] =	wrdreg s26  }
.Ltmp0:
0xe: {  	v4 =	vunpack.c.0.s8.s32 v4;
	v5 =	vunpack.c.0.s8.s32 v5;
	v6 =	vunpack.c.0.s8.s32 v6;
	s6 =	sshrl.u32 s6, $0x3;
	[dreg:$0xb] =	wrdreg s28;
	(pc) =	sbr.rel .LBB2_1-.Ltmp0, $4  }
0xf: {  	v7 =	vunpack.c.0.s8.s32 v7;
	s8 =	sadd.s32 $0x200, s1;
	v0 =	vcombine.low v1, v0;
	v1 =	vcombine.low v3, v2;
	[dreg:$0xc] =	wrdreg s29;
	s2 =	sadd.s32 s2, s6  }
0x10: {  	s7 =	sadd.s32 $0x100, s1;
	v2 =	vcombine.low v5, v4;
	v4 =	vand.u32 $0xF, v6;
	v3 =	vlaneseq.u32;
	[dreg:$0x5] =	wrdreg s2;
	s2 =	sadd.s32 $0x1000, s3  }
0x11: {  	vm0 =	vmmov $0xffff;
	s23 =	simm.s32 $0x18900;
	v4 =	vcombine.low v4, v7;
	v6 =	vshrl.u32 v3, $0x3;
	s3 =	sadd.s32 $0x7000, s3;
	[dreg:$0x7] =	wrdreg s2  }
0x12: {  	v5 =	vand.u32 $0x7, v3;
	v7 =	vor.u32 $0x8, v3;
	v6 =	vmul.u32 $0x8, v6;
	s24 =	simm.s32 $0x11900;
	[dreg:$0xd] =	wrdreg s3;
	s3 =	simm.s32 $0x4  }
.LBB2_7:
0x13: {  	s21 =	sadd.s32 $0x1, s21;
	s2 =	rddreg [dreg:$0xe]  }
0x14: {  	p0 =	sne.s32 s21, s2  }
.Ltmp1:
0x15: {  	_ = 	snop;
	(pc) =	sbr.rel @!p0 .LBB2_8-.Ltmp1, $1  }
0x16: {  	_ =	sdelay $0x3  }
.LBB2_1:
0x17: {  	s2 =	rddreg [dreg:$0x5];
	s9 =	simm.s32 $0x80;
	s12 =	simm.s32 $0x200  }
0x18: {  	[tilespmem:s5], [sflag:$0x8] =	stream.strided.gather [hbm4b:s2+s9], $0x100, s12, s9, $0x38;
	[tilespmem:$0x19100] =	vst v63  }
0x19: {  	s9 =	simm.s32 $0x8  }
0x1a: {  	_ =	swait.ge [sflag:s9], $0x100  }
0x1b: {  	[sflag:s9] =	ssyncset.done $0x0  }
0x1c: {  	[sflag:s9] =	ssyncadd.s32 $0xFFFFFF00  }
0x1d: {  	s11 =	simm.s32 $0x100;
	s2 =	rddreg [dreg:$0x2]  }
0x1e: {  	[tilespmem:s11], [sflag:$0x7] =	stream.linear.gather [hbm4b:s2+s5], $0x1000, $0x38;
	[tilespmem:$0x19100] =	vst v63  }
0x1f: {  	v22 =	vld [tilespmem:$0x0]  }
0x20: {  	v23 =	vld [tilespmem:$0x10]  }
0x21: {  	v21 =	vld [tilespmem:$0x20]  }
0x22: {  	v20 =	vld [tilespmem:$0x30]  }
0x23: {  	v19 =	vld [tilespmem:$0x40]  }
0x24: {  	v18 =	vld [tilespmem:$0x50];
	v8 =	vshll.u32 v22, $0x3  }
0x25: {  	v17 =	vld [tilespmem:$0x60];
	v9 =	vand.u32 $0x7, v22;
	v8 =	vand.u32 $0xFFFFFFC0, v8  }
0x26: {  	v15 =	vld [tilespmem:$0x70];
	v24 =	vor.u32 v9, v8  }
0x27: {  	v16 =	vld [tilespmem:$0x80];
	v8 =	vperm.xlane v24, v5  }
0x28: {  	v14 =	vld [tilespmem:$0x90]  }
0x29: {  	v13 =	vld [tilespmem:$0xA0];
	v25 =	vadd.s32 v6, v8  }
0x2a: {  	v12 =	vld [tilespmem:$0xB0]  }
0x2b: {  	v11 =	vld [tilespmem:$0xC0]  }
0x2c: {  	v10 =	vld [tilespmem:$0xD0]  }
0x2d: {  	s0 =	simm.s32 $0x1100;
	v39 =	vld [tilespmem:$0xE0]  }
0x2e: {  	v8 =	vld [tilespmem:$0xF0];
	[tilespmem:s0], [sflag:$0x1] =	stream.indirect_vreg.gather [hbm4b:s1+s5], $0x80, v25, vm0, $0xb8  }
0x2f: {  	s12 =	simm.s32 $0x1900;
	v24 =	vperm.xlane v24, v7  }
0x30: {  	[tilespmem:s12], [sflag:$0x1] =	stream.indirect_vreg.gather [hbm4b:s7+s5], $0x80, v25, vm0, $0xb8;
	[tilespmem:$0x19100] =	vst v63  }
0x31: {  	s13 =	simm.s32 $0x2100;
	v24 =	vadd.s32 v6, v24  }
0x32: {  	[tilespmem:s13], [sflag:$0x1] =	stream.indirect_vreg.gather [hbm4b:s8+s5], $0x80, v25, vm0, $0xb8;
	[tilespmem:$0x19100] =	vst v63  }
0x33: {  	s14 =	simm.s32 $0x2900  }
0x34: {  	[tilespmem:s14], [sflag:$0x1] =	stream.indirect_vreg.gather [hbm4b:s10+s5], $0x80, v25, vm0, $0xb8;
	[tilespmem:$0x19100] =	vst v63  }
0x35: {  	s15 =	simm.s32 $0x3100  }
0x36: {  	[tilespmem:s15], [sflag:$0x1] =	stream.indirect_vreg.gather [hbm4b:s1+s5], $0x80, v24, vm0, $0xb8;
	[tilespmem:$0x19100] =	vst v63  }
0x37: {  	s16 =	simm.s32 $0x3900  }
0x38: {  	[tilespmem:s16], [sflag:$0x1] =	stream.indirect_vreg.gather [hbm4b:s7+s5], $0x80, v24, vm0, $0xb8;
	[tilespmem:$0x19100] =	vst v63  }
0x39: {  	s17 =	simm.s32 $0x4100  }
0x3a: {  	[tilespmem:s17], [sflag:$0x1] =	stream.indirect_vreg.gather [hbm4b:s8+s5], $0x80, v24, vm0, $0xb8;
	[tilespmem:$0x19100] =	vst v63  }
0x3b: {  	s18 =	simm.s32 $0x4900  }
0x3c: {  	[tilespmem:s18], [sflag:$0x1] =	stream.indirect_vreg.gather [hbm4b:s10+s5], $0x80, v24, vm0, $0xb8;
	[tilespmem:$0x19100] =	vst v63  }
0x3d: {  	v24 =	vld [tilespmem:$0x10];
	_ =	sdelay $0x4  }
0x3e: {  	v40 =	vshll.u32 v24, $0x3  }
0x3f: {  	v24 =	vand.u32 $0x7, v24;
	v25 =	vand.u32 $0xFFFFFFC0, v40  }
0x40: {  	v24 =	vor.u32 v24, v25  }
0x41: {  	v25 =	vperm.xlane v24, v5;
	_ =	sdelay $0x1  }
0x42: {  	v25 =	vadd.s32 v6, v25;
	_ =	sdelay $0x3  }
0x43: {  	s19 =	simm.s32 $0x5100  }
0x44: {  	[tilespmem:s19], [sflag:$0x1] =	stream.indirect_vreg.gather [hbm4b:s1+s5], $0x80, v25, vm0, $0xb8;
	[tilespmem:$0x19100] =	vst v63  }
0x45: {  	s20 =	simm.s32 $0x5900;
	v24 =	vperm.xlane v24, v7  }
0x46: {  	[tilespmem:s20], [sflag:$0x1] =	stream.indirect_vreg.gather [hbm4b:s7+s5], $0x80, v25, vm0, $0xb8;
	[tilespmem:$0x19100] =	vst v63  }
0x47: {  	s22 =	simm.s32 $0x6100;
	v24 =	vadd.s32 v6, v24  }
0x48: {  	[tilespmem:s22], [sflag:$0x1] =	stream.indirect_vreg.gather [hbm4b:s8+s5], $0x80, v25, vm0, $0xb8;
	[tilespmem:$0x19100] =	vst v63  }
0x49: {  	s25 =	simm.s32 $0x6900  }
0x4a: {  	[tilespmem:s25], [sflag:$0x1] =	stream.indirect_vreg.gather [hbm4b:s10+s5], $0x80, v25, vm0, $0xb8;
	[tilespmem:$0x19100] =	vst v63  }
0x4b: {  	s26 =	simm.s32 $0x7100  }
0x4c: {  	[tilespmem:s26], [sflag:$0x1] =	stream.indirect_vreg.gather [hbm4b:s1+s5], $0x80, v24, vm0, $0xb8;
	[tilespmem:$0x19100] =	vst v63  }
0x4d: {  	s28 =	simm.s32 $0x7900  }
0x4e: {  	[tilespmem:s28], [sflag:$0x1] =	stream.indirect_vreg.gather [hbm4b:s7+s5], $0x80, v24, vm0, $0xb8;
	[tilespmem:$0x19100] =	vst v63  }
0x4f: {  	s29 =	simm.s32 $0x8100  }
0x50: {  	[tilespmem:s29], [sflag:$0x1] =	stream.indirect_vreg.gather [hbm4b:s8+s5], $0x80, v24, vm0, $0xb8;
	[tilespmem:$0x19100] =	vst v63  }
0x51: {  	s30 =	simm.s32 $0x8900  }
0x52: {  	[tilespmem:s30], [sflag:$0x1] =	stream.indirect_vreg.gather [hbm4b:s10+s5], $0x80, v24, vm0, $0xb8;
	[tilespmem:$0x19100] =	vst v63  }
0x53: {  	v24 =	vld [tilespmem:$0x20];
	_ =	sdelay $0x4  }
0x54: {  	v41 =	vshll.u32 v24, $0x3  }
0x55: {  	v24 =	vand.u32 $0x7, v24;
	v25 =	vand.u32 $0xFFFFFFC0, v41  }
0x56: {  	v24 =	vor.u32 v24, v25  }
0x57: {  	v25 =	vperm.xlane v24, v5;
	_ =	sdelay $0x1  }
0x58: {  	v25 =	vadd.s32 v6, v25;
	_ =	sdelay $0x3  }
0x59: {  	s9 =	simm.s32 $0x9100  }
0x5a: {  	[tilespmem:s9], [sflag:$0x2] =	stream.indirect_vreg.gather [hbm4b:s1+s5], $0x80, v25, vm0, $0xb8;
	[tilespmem:$0x19100] =	vst v63  }
0x5b: {  	s31 =	simm.s32 $0x9900;
	v24 =	vperm.xlane v24, v7  }
0x5c: {  	[tilespmem:s31], [sflag:$0x2] =	stream.indirect_vreg.gather [hbm4b:s7+s5], $0x80, v25, vm0, $0xb8;
	[tilespmem:$0x19100] =	vst v63  }
0x5d: {  	s2 =	simm.s32 $0xA100;
	v24 =	vadd.s32 v6, v24  }
0x5e: {  	[tilespmem:s2], [sflag:$0x2] =	stream.indirect_vreg.gather [hbm4b:s8+s5], $0x80, v25, vm0, $0xb8;
	[tilespmem:$0x19100] =	vst v63  }
0x5f: {  	s12 =	simm.s32 $0xA900  }
0x60: {  	[tilespmem:s12], [sflag:$0x2] =	stream.indirect_vreg.gather [hbm4b:s10+s5], $0x80, v25, vm0, $0xb8;
	[tilespmem:$0x19100] =	vst v63  }
0x61: {  	s15 =	simm.s32 $0xB100  }
0x62: {  	[tilespmem:s15], [sflag:$0x2] =	stream.indirect_vreg.gather [hbm4b:s1+s5], $0x80, v24, vm0, $0xb8;
	[tilespmem:$0x19100] =	vst v63  }
0x63: {  	s16 =	simm.s32 $0xB900  }
0x64: {  	[tilespmem:s16], [sflag:$0x2] =	stream.indirect_vreg.gather [hbm4b:s7+s5], $0x80, v24, vm0, $0xb8;
	[tilespmem:$0x19100] =	vst v63  }
0x65: {  	s17 =	simm.s32 $0xC100  }
0x66: {  	[tilespmem:s17], [sflag:$0x2] =	stream.indirect_vreg.gather [hbm4b:s8+s5], $0x80, v24, vm0, $0xb8;
	[tilespmem:$0x19100] =	vst v63  }
0x67: {  	s18 =	simm.s32 $0xC900  }
0x68: {  	[tilespmem:s18], [sflag:$0x2] =	stream.indirect_vreg.gather [hbm4b:s10+s5], $0x80, v24, vm0, $0xb8;
	[tilespmem:$0x19100] =	vst v63  }
0x69: {  	v24 =	vld [tilespmem:$0x30];
	_ =	sdelay $0x4  }
0x6a: {  	v42 =	vshll.u32 v24, $0x3  }
0x6b: {  	v24 =	vand.u32 $0x7, v24;
	v25 =	vand.u32 $0xFFFFFFC0, v42  }
0x6c: {  	v24 =	vor.u32 v24, v25  }
0x6d: {  	v25 =	vperm.xlane v24, v5;
	_ =	sdelay $0x1  }
0x6e: {  	v25 =	vadd.s32 v6, v25;
	_ =	sdelay $0x3  }
0x6f: {  	s19 =	simm.s32 $0xD100  }
0x70: {  	[tilespmem:s19], [sflag:$0x2] =	stream.indirect_vreg.gather [hbm4b:s1+s5], $0x80, v25, vm0, $0xb8;
	[tilespmem:$0x19100] =	vst v63  }
0x71: {  	s22 =	simm.s32 $0xD900;
	v24 =	vperm.xlane v24, v7  }
0x72: {  	[tilespmem:s22], [sflag:$0x2] =	stream.indirect_vreg.gather [hbm4b:s7+s5], $0x80, v25, vm0, $0xb8;
	[tilespmem:$0x19100] =	vst v63  }
0x73: {  	s25 =	simm.s32 $0xE100;
	v24 =	vadd.s32 v6, v24  }
0x74: {  	[tilespmem:s25], [sflag:$0x2] =	stream.indirect_vreg.gather [hbm4b:s8+s5], $0x80, v25, vm0, $0xb8;
	[tilespmem:$0x19100] =	vst v63  }
0x75: {  	s26 =	simm.s32 $0xE900  }
0x76: {  	[tilespmem:s26], [sflag:$0x2] =	stream.indirect_vreg.gather [hbm4b:s10+s5], $0x80, v25, vm0, $0xb8;
	[tilespmem:$0x19100] =	vst v63  }
0x77: {  	s28 =	simm.s32 $0xF100  }
0x78: {  	[tilespmem:s28], [sflag:$0x2] =	stream.indirect_vreg.gather [hbm4b:s1+s5], $0x80, v24, vm0, $0xb8;
	[tilespmem:$0x19100] =	vst v63  }
0x79: {  	s29 =	simm.s32 $0xF900  }
0x7a: {  	[tilespmem:s29], [sflag:$0x2] =	stream.indirect_vreg.gather [hbm4b:s7+s5], $0x80, v24, vm0, $0xb8;
	[tilespmem:$0x19100] =	vst v63  }
0x7b: {  	s30 =	simm.s32 $0x10100  }
0x7c: {  	[tilespmem:s30], [sflag:$0x2] =	stream.indirect_vreg.gather [hbm4b:s8+s5], $0x80, v24, vm0, $0xb8;
	[tilespmem:$0x19100] =	vst v63  }
0x7d: {  	s31 =	simm.s32 $0x10900  }
0x7e: {  	[tilespmem:s31], [sflag:$0x2] =	stream.indirect_vreg.gather [hbm4b:s10+s5], $0x80, v24, vm0, $0xb8;
	[tilespmem:$0x19100] =	vst v63  }
0x7f: {  	v24 =	vld [tilespmem:$0x40];
	_ =	sdelay $0x4  }
0x80: {  	v43 =	vshll.u32 v24, $0x3  }
0x81: {  	v24 =	vand.u32 $0x7, v24;
	v25 =	vand.u32 $0xFFFFFFC0, v43  }
0x82: {  	v24 =	vor.u32 v24, v25  }
0x83: {  	v25 =	vperm.xlane v24, v5;
	_ =	sdelay $0x1  }
0x84: {  	v25 =	vadd.s32 v6, v25;
	_ =	sdelay $0x3  }
0x85: {  	s2 =	simm.s32 $0x11100  }
0x86: {  	[tilespmem:s2], [sflag:$0x3] =	stream.indirect_vreg.gather [hbm4b:s1+s5], $0x80, v25, vm0, $0xb8;
	[tilespmem:$0x19100] =	vst v63  }
0x87: {  	v24 =	vperm.xlane v24, v7  }
0x88: {  	[tilespmem:s24], [sflag:$0x3] =	stream.indirect_vreg.gather [hbm4b:s7+s5], $0x80, v25, vm0, $0xb8;
	[tilespmem:$0x19100] =	vst v63  }
0x89: {  	s25 =	simm.s32 $0x12100;
	v24 =	vadd.s32 v6, v24  }
0x8a: {  	[tilespmem:s25], [sflag:$0x3] =	stream.indirect_vreg.gather [hbm4b:s8+s5], $0x80, v25, vm0, $0xb8;
	[tilespmem:$0x19100] =	vst v63  }
0x8b: {  	s30 =	simm.s32 $0x12900  }
0x8c: {  	[tilespmem:s30], [sflag:$0x3] =	stream.indirect_vreg.gather [hbm4b:s10+s5], $0x80, v25, vm0, $0xb8;
	[tilespmem:$0x19100] =	vst v63  }
0x8d: {  	s26 =	simm.s32 $0x13100  }
0x8e: {  	[tilespmem:s26], [sflag:$0x3] =	stream.indirect_vreg.gather [hbm4b:s1+s5], $0x80, v24, vm0, $0xb8;
	[tilespmem:$0x19100] =	vst v63  }
0x8f: {  	s12 =	simm.s32 $0x13900  }
0x90: {  	[tilespmem:s12], [sflag:$0x3] =	stream.indirect_vreg.gather [hbm4b:s7+s5], $0x80, v24, vm0, $0xb8;
	[tilespmem:$0x19100] =	vst v63  }
0x91: {  	s28 =	simm.s32 $0x14100  }
0x92: {  	[tilespmem:s28], [sflag:$0x3] =	stream.indirect_vreg.gather [hbm4b:s8+s5], $0x80, v24, vm0, $0xb8;
	[tilespmem:$0x19100] =	vst v63  }
0x93: {  	s15 =	simm.s32 $0x14900  }
0x94: {  	[tilespmem:s15], [sflag:$0x3] =	stream.indirect_vreg.gather [hbm4b:s10+s5], $0x80, v24, vm0, $0xb8;
	[tilespmem:$0x19100] =	vst v63  }
0x95: {  	v24 =	vld [tilespmem:$0x50];
	_ =	sdelay $0x4  }
0x96: {  	v44 =	vshll.u32 v24, $0x3  }
0x97: {  	v24 =	vand.u32 $0x7, v24;
	v25 =	vand.u32 $0xFFFFFFC0, v44  }
0x98: {  	v24 =	vor.u32 v24, v25  }
0x99: {  	v25 =	vperm.xlane v24, v5;
	_ =	sdelay $0x1  }
0x9a: {  	v25 =	vadd.s32 v6, v25;
	_ =	sdelay $0x3  }
0x9b: {  	s16 =	simm.s32 $0x15100  }
0x9c: {  	[tilespmem:s16], [sflag:$0x3] =	stream.indirect_vreg.gather [hbm4b:s1+s5], $0x80, v25, vm0, $0xb8;
	[tilespmem:$0x19100] =	vst v63  }
0x9d: {  	s17 =	simm.s32 $0x15900;
	v24 =	vperm.xlane v24, v7  }
0x9e: {  	[tilespmem:s17], [sflag:$0x3] =	stream.indirect_vreg.gather [hbm4b:s7+s5], $0x80, v25, vm0, $0xb8;
	[tilespmem:$0x19100] =	vst v63  }
0x9f: {  	s18 =	simm.s32 $0x16100;
	v24 =	vadd.s32 v6, v24  }
0xa0: {  	[tilespmem:s18], [sflag:$0x3] =	stream.indirect_vreg.gather [hbm4b:s8+s5], $0x80, v25, vm0, $0xb8;
	[tilespmem:$0x19100] =	vst v63  }
0xa1: {  	s19 =	simm.s32 $0x16900  }
0xa2: {  	[tilespmem:s19], [sflag:$0x3] =	stream.indirect_vreg.gather [hbm4b:s10+s5], $0x80, v25, vm0, $0xb8;
	[tilespmem:$0x19100] =	vst v63  }
0xa3: {  	s29 =	simm.s32 $0x17100  }
0xa4: {  	[tilespmem:s29], [sflag:$0x3] =	stream.indirect_vreg.gather [hbm4b:s1+s5], $0x80, v24, vm0, $0xb8;
	[tilespmem:$0x19100] =	vst v63  }
0xa5: {  	s31 =	simm.s32 $0x17900  }
0xa6: {  	[tilespmem:s31], [sflag:$0x3] =	stream.indirect_vreg.gather [hbm4b:s7+s5], $0x80, v24, vm0, $0xb8;
	[tilespmem:$0x19100] =	vst v63  }
0xa7: {  	s22 =	simm.s32 $0x18100  }
0xa8: {  	[tilespmem:s22], [sflag:$0x3] =	stream.indirect_vreg.gather [hbm4b:s8+s5], $0x80, v24, vm0, $0xb8;
	[tilespmem:$0x19100] =	vst v63  }
0xa9: {  	s0 =	simm.s32 $0x1  }
0xaa: {  	[tilespmem:s23], [sflag:$0x3] =	stream.indirect_vreg.gather [hbm4b:s10+s5], $0x80, v24, vm0, $0xb8;
	[tilespmem:$0x19100] =	vst v63  }
0xab: {  	_ =	swait.ge [sflag:s0], $0x8000  }
0xac: {  	[sflag:s0] =	ssyncset.done $0x0  }
0xad: {  	s11 =	simm.s32 $0x1100;
	s2 =	rddreg [dreg:$0x6];
	[sflag:s0] =	ssyncadd.s32 $0xFFFF8000  }
0xae: {  	[hbm4b:s2+s5] =	stream.linear.scatter [tilespmem:s11], [sflag:$0x4], $0x8000, $0x38;
	[tilespmem:$0x19100] =	vst v63  }
0xaf: {  	_ =	swait.ge [sflag:s3], $0x8000  }
0xb0: {  	[sflag:s3] =	ssyncset.done $0x0  }
0xb1: {  	[sflag:s3] =	ssyncadd.s32 $0xFFFF8000  }
0xb2: {  	v45 =	vld [tilespmem:$0x60];
	_ =	sdelay $0x4  }
0xb3: {  	v46 =	vshll.u32 v45, $0x3  }
0xb4: {  	v24 =	vand.u32 $0x7, v45;
	v25 =	vand.u32 $0xFFFFFFC0, v46  }
0xb5: {  	v24 =	vor.u32 v24, v25  }
0xb6: {  	v25 =	vperm.xlane v24, v5;
	_ =	sdelay $0x1  }
0xb7: {  	v25 =	vadd.s32 v6, v25;
	_ =	sdelay $0x4  }
0xb8: {  	[tilespmem:s11], [sflag:$0x1] =	stream.indirect_vreg.gather [hbm4b:s1+s5], $0x80, v25, vm0, $0xb8;
	[tilespmem:$0x19100] =	vst v63  }
0xb9: {  	s6 =	simm.s32 $0x1900;
	v24 =	vperm.xlane v24, v7  }
0xba: {  	[tilespmem:s6], [sflag:$0x1] =	stream.indirect_vreg.gather [hbm4b:s7+s5], $0x80, v25, vm0, $0xb8;
	[tilespmem:$0x19100] =	vst v63  }
0xbb: {  	v24 =	vadd.s32 v6, v24;
	s11 =	simm.s32 $0x2100  }
0xbc: {  	[tilespmem:s11], [sflag:$0x1] =	stream.indirect_vreg.gather [hbm4b:s8+s5], $0x80, v25, vm0, $0xb8;
	[tilespmem:$0x19100] =	vst v63  }
0xbd: {  	s6 =	simm.s32 $0x2900  }
0xbe: {  	[tilespmem:s6], [sflag:$0x1] =	stream.indirect_vreg.gather [hbm4b:s10+s5], $0x80, v25, vm0, $0xb8;
	[tilespmem:$0x19100] =	vst v63  }
0xbf: {  	s11 =	simm.s32 $0x3100  }
0xc0: {  	[tilespmem:s11], [sflag:$0x1] =	stream.indirect_vreg.gather [hbm4b:s1+s5], $0x80, v24, vm0, $0xb8;
	[tilespmem:$0x19100] =	vst v63  }
0xc1: {  	s6 =	simm.s32 $0x3900  }
0xc2: {  	[tilespmem:s6], [sflag:$0x1] =	stream.indirect_vreg.gather [hbm4b:s7+s5], $0x80, v24, vm0, $0xb8;
	[tilespmem:$0x19100] =	vst v63  }
0xc3: {  	s11 =	simm.s32 $0x4100  }
0xc4: {  	[tilespmem:s11], [sflag:$0x1] =	stream.indirect_vreg.gather [hbm4b:s8+s5], $0x80, v24, vm0, $0xb8;
	[tilespmem:$0x19100] =	vst v63  }
0xc5: {  	s13 =	simm.s32 $0x4900  }
0xc6: {  	[tilespmem:s13], [sflag:$0x1] =	stream.indirect_vreg.gather [hbm4b:s10+s5], $0x80, v24, vm0, $0xb8;
	[tilespmem:$0x19100] =	vst v63  }
0xc7: {  	v24 =	vld [tilespmem:$0x70];
	_ =	sdelay $0x4  }
0xc8: {  	v47 =	vshll.u32 v24, $0x3  }
0xc9: {  	v24 =	vand.u32 $0x7, v24;
	v25 =	vand.u32 $0xFFFFFFC0, v47  }
0xca: {  	v24 =	vor.u32 v24, v25  }
0xcb: {  	v25 =	vperm.xlane v24, v5;
	_ =	sdelay $0x1  }
0xcc: {  	v25 =	vadd.s32 v6, v25;
	_ =	sdelay $0x3  }
0xcd: {  	s14 =	simm.s32 $0x5100  }
0xce: {  	[tilespmem:s14], [sflag:$0x1] =	stream.indirect_vreg.gather [hbm4b:s1+s5], $0x80, v25, vm0, $0xb8;
	[tilespmem:$0x19100] =	vst v63  }
0xcf: {  	s20 =	simm.s32 $0x5900;
	v24 =	vperm.xlane v24, v7  }
0xd0: {  	[tilespmem:s20], [sflag:$0x1] =	stream.indirect_vreg.gather [hbm4b:s7+s5], $0x80, v25, vm0, $0xb8;
	[tilespmem:$0x19100] =	vst v63  }
0xd1: {  	v24 =	vadd.s32 v6, v24;
	s14 =	simm.s32 $0x6100  }
0xd2: {  	[tilespmem:s14], [sflag:$0x1] =	stream.indirect_vreg.gather [hbm4b:s8+s5], $0x80, v25, vm0, $0xb8;
	[tilespmem:$0x19100] =	vst v63  }
0xd3: {  	s20 =	simm.s32 $0x6900  }
0xd4: {  	[tilespmem:s20], [sflag:$0x1] =	stream.indirect_vreg.gather [hbm4b:s10+s5], $0x80, v25, vm0, $0xb8;
	[tilespmem:$0x19100] =	vst v63  }
0xd5: {  	s6 =	simm.s32 $0x7100  }
0xd6: {  	[tilespmem:s6], [sflag:$0x1] =	stream.indirect_vreg.gather [hbm4b:s1+s5], $0x80, v24, vm0, $0xb8;
	[tilespmem:$0x19100] =	vst v63  }
0xd7: {  	s11 =	simm.s32 $0x7900  }
0xd8: {  	[tilespmem:s11], [sflag:$0x1] =	stream.indirect_vreg.gather [hbm4b:s7+s5], $0x80, v24, vm0, $0xb8;
	[tilespmem:$0x19100] =	vst v63  }
0xd9: {  	s13 =	simm.s32 $0x8100  }
0xda: {  	[tilespmem:s13], [sflag:$0x1] =	stream.indirect_vreg.gather [hbm4b:s8+s5], $0x80, v24, vm0, $0xb8;
	[tilespmem:$0x19100] =	vst v63  }
0xdb: {  	s14 =	simm.s32 $0x8900  }
0xdc: {  	[tilespmem:s14], [sflag:$0x1] =	stream.indirect_vreg.gather [hbm4b:s10+s5], $0x80, v24, vm0, $0xb8;
	[tilespmem:$0x19100] =	vst v63  }
0xdd: {  	s14 =	simm.s32 $0x2  }
0xde: {  	_ =	swait.ge [sflag:s14], $0x8000  }
0xdf: {  	[sflag:s14] =	ssyncset.done $0x0  }
0xe0: {  	s11 =	simm.s32 $0x5;
	s20 =	rddreg [dreg:$0x7];
	[sflag:s14] =	ssyncadd.s32 $0xFFFF8000  }
0xe1: {  	[hbm4b:s20+s5] =	stream.linear.scatter [tilespmem:s9], [sflag:$0x5], $0x8000, $0x38;
	[tilespmem:$0x19100] =	vst v63  }
0xe2: {  	_ =	swait.ge [sflag:s11], $0x8000  }
0xe3: {  	[sflag:s11] =	ssyncset.done $0x0  }
0xe4: {  	[sflag:s11] =	ssyncadd.s32 $0xFFFF8000  }
0xe5: {  	v48 =	vld [tilespmem:$0x80];
	_ =	sdelay $0x4  }
0xe6: {  	v49 =	vshll.u32 v48, $0x3  }
0xe7: {  	v24 =	vand.u32 $0x7, v48;
	v25 =	vand.u32 $0xFFFFFFC0, v49  }
0xe8: {  	v24 =	vor.u32 v24, v25  }
0xe9: {  	v25 =	vperm.xlane v24, v5;
	_ =	sdelay $0x1  }
0xea: {  	v25 =	vadd.s32 v6, v25;
	_ =	sdelay $0x4  }
0xeb: {  	[tilespmem:s9], [sflag:$0x2] =	stream.indirect_vreg.gather [hbm4b:s1+s5], $0x80, v25, vm0, $0xb8;
	[tilespmem:$0x19100] =	vst v63  }
0xec: {  	s6 =	simm.s32 $0x9900;
	v24 =	vperm.xlane v24, v7  }
0xed: {  	[tilespmem:s6], [sflag:$0x2] =	stream.indirect_vreg.gather [hbm4b:s7+s5], $0x80, v25, vm0, $0xb8;
	[tilespmem:$0x19100] =	vst v63  }
0xee: {  	s13 =	simm.s32 $0xA100;
	v24 =	vadd.s32 v6, v24  }
0xef: {  	[tilespmem:s13], [sflag:$0x2] =	stream.indirect_vreg.gather [hbm4b:s8+s5], $0x80, v25, vm0, $0xb8;
	[tilespmem:$0x19100] =	vst v63  }
0xf0: {  	s20 =	simm.s32 $0xA900  }
0xf1: {  	[tilespmem:s20], [sflag:$0x2] =	stream.indirect_vreg.gather [hbm4b:s10+s5], $0x80, v25, vm0, $0xb8;
	[tilespmem:$0x19100] =	vst v63  }
0xf2: {  	s6 =	simm.s32 $0xB100  }
0xf3: {  	[tilespmem:s6], [sflag:$0x2] =	stream.indirect_vreg.gather [hbm4b:s1+s5], $0x80, v24, vm0, $0xb8;
	[tilespmem:$0x19100] =	vst v63  }
0xf4: {  	s13 =	simm.s32 $0xB900  }
0xf5: {  	[tilespmem:s13], [sflag:$0x2] =	stream.indirect_vreg.gather [hbm4b:s7+s5], $0x80, v24, vm0, $0xb8;
	[tilespmem:$0x19100] =	vst v63  }
0xf6: {  	s20 =	simm.s32 $0xC100  }
0xf7: {  	[tilespmem:s20], [sflag:$0x2] =	stream.indirect_vreg.gather [hbm4b:s8+s5], $0x80, v24, vm0, $0xb8;
	[tilespmem:$0x19100] =	vst v63  }
0xf8: {  	s6 =	simm.s32 $0xC900  }
0xf9: {  	[tilespmem:s6], [sflag:$0x2] =	stream.indirect_vreg.gather [hbm4b:s10+s5], $0x80, v24, vm0, $0xb8;
	[tilespmem:$0x19100] =	vst v63  }
0xfa: {  	v24 =	vld [tilespmem:$0x90];
	_ =	sdelay $0x4  }
0xfb: {  	v50 =	vshll.u32 v24, $0x3  }
0xfc: {  	v24 =	vand.u32 $0x7, v24;
	v25 =	vand.u32 $0xFFFFFFC0, v50  }
0xfd: {  	v24 =	vor.u32 v24, v25  }
0xfe: {  	v25 =	vperm.xlane v24, v5;
	_ =	sdelay $0x1  }
0xff: {  	v25 =	vadd.s32 v6, v25;
	_ =	sdelay $0x3  }
0x100: {  	s13 =	simm.s32 $0xD100  }
0x101: {  	[tilespmem:s13], [sflag:$0x2] =	stream.indirect_vreg.gather [hbm4b:s1+s5], $0x80, v25, vm0, $0xb8;
	[tilespmem:$0x19100] =	vst v63  }
0x102: {  	s20 =	simm.s32 $0xD900;
	v24 =	vperm.xlane v24, v7  }
0x103: {  	[tilespmem:s20], [sflag:$0x2] =	stream.indirect_vreg.gather [hbm4b:s7+s5], $0x80, v25, vm0, $0xb8;
	[tilespmem:$0x19100] =	vst v63  }
0x104: {  	s6 =	simm.s32 $0xE100;
	v24 =	vadd.s32 v6, v24  }
0x105: {  	[tilespmem:s6], [sflag:$0x2] =	stream.indirect_vreg.gather [hbm4b:s8+s5], $0x80, v25, vm0, $0xb8;
	[tilespmem:$0x19100] =	vst v63  }
0x106: {  	s13 =	simm.s32 $0xE900  }
0x107: {  	[tilespmem:s13], [sflag:$0x2] =	stream.indirect_vreg.gather [hbm4b:s10+s5], $0x80, v25, vm0, $0xb8;
	[tilespmem:$0x19100] =	vst v63  }
0x108: {  	s20 =	simm.s32 $0xF100  }
0x109: {  	[tilespmem:s20], [sflag:$0x2] =	stream.indirect_vreg.gather [hbm4b:s1+s5], $0x80, v24, vm0, $0xb8;
	[tilespmem:$0x19100] =	vst v63  }
0x10a: {  	s6 =	simm.s32 $0xF900  }
0x10b: {  	[tilespmem:s6], [sflag:$0x2] =	stream.indirect_vreg.gather [hbm4b:s7+s5], $0x80, v24, vm0, $0xb8;
	[tilespmem:$0x19100] =	vst v63  }
0x10c: {  	s13 =	simm.s32 $0x10100  }
0x10d: {  	[tilespmem:s13], [sflag:$0x2] =	stream.indirect_vreg.gather [hbm4b:s8+s5], $0x80, v24, vm0, $0xb8;
	[tilespmem:$0x19100] =	vst v63  }
0x10e: {  	s20 =	simm.s32 $0x10900;
	s13 =	simm.s32 $0x3  }
0x10f: {  	[tilespmem:s20], [sflag:$0x2] =	stream.indirect_vreg.gather [hbm4b:s10+s5], $0x80, v24, vm0, $0xb8;
	[tilespmem:$0x19100] =	vst v63  }
0x110: {  	_ =	swait.ge [sflag:s13], $0x8000  }
0x111: {  	[sflag:s13] =	ssyncset.done $0x0  }
0x112: {  	s20 =	simm.s32 $0x11100;
	s6 =	rddreg [dreg:$0x8];
	[sflag:s13] =	ssyncadd.s32 $0xFFFF8000  }
0x113: {  	[hbm4b:s6+s5] =	stream.linear.scatter [tilespmem:s20], [sflag:$0x6], $0x8000, $0x38;
	[tilespmem:$0x19100] =	vst v63  }
0x114: {  	s6 =	simm.s32 $0x6  }
0x115: {  	_ =	swait.ge [sflag:s6], $0x8000  }
0x116: {  	[sflag:s6] =	ssyncset.done $0x0  }
0x117: {  	[sflag:s6] =	ssyncadd.s32 $0xFFFF8000  }
0x118: {  	v51 =	vld [tilespmem:$0xA0];
	_ =	sdelay $0x4  }
0x119: {  	v52 =	vshll.u32 v51, $0x3  }
0x11a: {  	v24 =	vand.u32 $0x7, v51;
	v25 =	vand.u32 $0xFFFFFFC0, v52  }
0x11b: {  	v24 =	vor.u32 v24, v25  }
0x11c: {  	v25 =	vperm.xlane v24, v5;
	_ =	sdelay $0x1  }
0x11d: {  	v25 =	vadd.s32 v6, v25;
	_ =	sdelay $0x4  }
0x11e: {  	[tilespmem:s20], [sflag:$0x3] =	stream.indirect_vreg.gather [hbm4b:s1+s5], $0x80, v25, vm0, $0xb8;
	[tilespmem:$0x19100] =	vst v63  }
0x11f: {  	v24 =	vperm.xlane v24, v7  }
0x120: {  	[tilespmem:s24], [sflag:$0x3] =	stream.indirect_vreg.gather [hbm4b:s7+s5], $0x80, v25, vm0, $0xb8;
	[tilespmem:$0x19100] =	vst v63  }
0x121: {  	v24 =	vadd.s32 v6, v24  }
0x122: {  	[tilespmem:s25], [sflag:$0x3] =	stream.indirect_vreg.gather [hbm4b:s8+s5], $0x80, v25, vm0, $0xb8;
	[tilespmem:$0x19100] =	vst v63  }
0x123: {  	_ = 	snop  }
0x124: {  	[tilespmem:s30], [sflag:$0x3] =	stream.indirect_vreg.gather [hbm4b:s10+s5], $0x80, v25, vm0, $0xb8;
	[tilespmem:$0x19100] =	vst v63  }
0x125: {  	_ = 	snop  }
0x126: {  	[tilespmem:s26], [sflag:$0x3] =	stream.indirect_vreg.gather [hbm4b:s1+s5], $0x80, v24, vm0, $0xb8;
	[tilespmem:$0x19100] =	vst v63  }
0x127: {  	_ = 	snop  }
0x128: {  	[tilespmem:s12], [sflag:$0x3] =	stream.indirect_vreg.gather [hbm4b:s7+s5], $0x80, v24, vm0, $0xb8;
	[tilespmem:$0x19100] =	vst v63  }
0x129: {  	_ = 	snop  }
0x12a: {  	[tilespmem:s28], [sflag:$0x3] =	stream.indirect_vreg.gather [hbm4b:s8+s5], $0x80, v24, vm0, $0xb8;
	[tilespmem:$0x19100] =	vst v63  }
0x12b: {  	_ = 	snop  }
0x12c: {  	[tilespmem:s15], [sflag:$0x3] =	stream.indirect_vreg.gather [hbm4b:s10+s5], $0x80, v24, vm0, $0xb8;
	[tilespmem:$0x19100] =	vst v63  }
0x12d: {  	v24 =	vld [tilespmem:$0xB0];
	_ =	sdelay $0x4  }
0x12e: {  	v53 =	vshll.u32 v24, $0x3  }
0x12f: {  	v24 =	vand.u32 $0x7, v24;
	v25 =	vand.u32 $0xFFFFFFC0, v53  }
0x130: {  	v24 =	vor.u32 v24, v25  }
0x131: {  	v25 =	vperm.xlane v24, v5;
	_ =	sdelay $0x1  }
0x132: {  	v25 =	vadd.s32 v6, v25;
	_ =	sdelay $0x4  }
0x133: {  	[tilespmem:s16], [sflag:$0x3] =	stream.indirect_vreg.gather [hbm4b:s1+s5], $0x80, v25, vm0, $0xb8;
	[tilespmem:$0x19100] =	vst v63  }
0x134: {  	v24 =	vperm.xlane v24, v7  }
0x135: {  	[tilespmem:s17], [sflag:$0x3] =	stream.indirect_vreg.gather [hbm4b:s7+s5], $0x80, v25, vm0, $0xb8;
	[tilespmem:$0x19100] =	vst v63  }
0x136: {  	v24 =	vadd.s32 v6, v24  }
0x137: {  	[tilespmem:s18], [sflag:$0x3] =	stream.indirect_vreg.gather [hbm4b:s8+s5], $0x80, v25, vm0, $0xb8;
	[tilespmem:$0x19100] =	vst v63  }
0x138: {  	_ = 	snop  }
0x139: {  	[tilespmem:s19], [sflag:$0x3] =	stream.indirect_vreg.gather [hbm4b:s10+s5], $0x80, v25, vm0, $0xb8;
	[tilespmem:$0x19100] =	vst v63  }
0x13a: {  	_ = 	snop  }
0x13b: {  	[tilespmem:s29], [sflag:$0x3] =	stream.indirect_vreg.gather [hbm4b:s1+s5], $0x80, v24, vm0, $0xb8;
	[tilespmem:$0x19100] =	vst v63  }
0x13c: {  	_ = 	snop  }
0x13d: {  	[tilespmem:s31], [sflag:$0x3] =	stream.indirect_vreg.gather [hbm4b:s7+s5], $0x80, v24, vm0, $0xb8;
	[tilespmem:$0x19100] =	vst v63  }
0x13e: {  	_ = 	snop  }
0x13f: {  	[tilespmem:s22], [sflag:$0x3] =	stream.indirect_vreg.gather [hbm4b:s8+s5], $0x80, v24, vm0, $0xb8;
	[tilespmem:$0x19100] =	vst v63  }
0x140: {  	_ = 	snop  }
0x141: {  	[tilespmem:s23], [sflag:$0x3] =	stream.indirect_vreg.gather [hbm4b:s10+s5], $0x80, v24, vm0, $0xb8;
	[tilespmem:$0x19100] =	vst v63  }
0x142: {  	_ =	swait.ge [sflag:s0], $0x8000  }
0x143: {  	[sflag:s0] =	ssyncset.done $0x0  }
0x144: {  	s31 =	simm.s32 $0x1100;
	s30 =	rddreg [dreg:$0x9];
	[sflag:s0] =	ssyncadd.s32 $0xFFFF8000  }
0x145: {  	[hbm4b:s30+s5] =	stream.linear.scatter [tilespmem:s31], [sflag:$0x4], $0x8000, $0x38;
	[tilespmem:$0x19100] =	vst v63  }
0x146: {  	_ =	swait.ge [sflag:s3], $0x8000  }
0x147: {  	[sflag:s3] =	ssyncset.done $0x0  }
0x148: {  	[sflag:s3] =	ssyncadd.s32 $0xFFFF8000  }
0x149: {  	v54 =	vld [tilespmem:$0xC0];
	_ =	sdelay $0x4  }
0x14a: {  	v55 =	vshll.u32 v54, $0x3  }
0x14b: {  	v24 =	vand.u32 $0x7, v54;
	v25 =	vand.u32 $0xFFFFFFC0, v55  }
0x14c: {  	v24 =	vor.u32 v24, v25  }
0x14d: {  	v25 =	vperm.xlane v24, v5;
	_ =	sdelay $0x1  }
0x14e: {  	v25 =	vadd.s32 v6, v25;
	_ =	sdelay $0x4  }
0x14f: {  	[tilespmem:s31], [sflag:$0x1] =	stream.indirect_vreg.gather [hbm4b:s1+s5], $0x80, v25, vm0, $0xb8;
	[tilespmem:$0x19100] =	vst v63  }
0x150: {  	s15 =	simm.s32 $0x1900;
	v24 =	vperm.xlane v24, v7  }
0x151: {  	[tilespmem:s15], [sflag:$0x1] =	stream.indirect_vreg.gather [hbm4b:s7+s5], $0x80, v25, vm0, $0xb8;
	[tilespmem:$0x19100] =	vst v63  }
0x152: {  	s16 =	simm.s32 $0x2100;
	v24 =	vadd.s32 v6, v24  }
0x153: {  	[tilespmem:s16], [sflag:$0x1] =	stream.indirect_vreg.gather [hbm4b:s8+s5], $0x80, v25, vm0, $0xb8;
	[tilespmem:$0x19100] =	vst v63  }
0x154: {  	s17 =	simm.s32 $0x2900  }
0x155: {  	[tilespmem:s17], [sflag:$0x1] =	stream.indirect_vreg.gather [hbm4b:s10+s5], $0x80, v25, vm0, $0xb8;
	[tilespmem:$0x19100] =	vst v63  }
0x156: {  	s18 =	simm.s32 $0x3100  }
0x157: {  	[tilespmem:s18], [sflag:$0x1] =	stream.indirect_vreg.gather [hbm4b:s1+s5], $0x80, v24, vm0, $0xb8;
	[tilespmem:$0x19100] =	vst v63  }
0x158: {  	s19 =	simm.s32 $0x3900  }
0x159: {  	[tilespmem:s19], [sflag:$0x1] =	stream.indirect_vreg.gather [hbm4b:s7+s5], $0x80, v24, vm0, $0xb8;
	[tilespmem:$0x19100] =	vst v63  }
0x15a: {  	s22 =	simm.s32 $0x4100  }
0x15b: {  	[tilespmem:s22], [sflag:$0x1] =	stream.indirect_vreg.gather [hbm4b:s8+s5], $0x80, v24, vm0, $0xb8;
	[tilespmem:$0x19100] =	vst v63  }
0x15c: {  	s25 =	simm.s32 $0x4900  }
0x15d: {  	[tilespmem:s25], [sflag:$0x1] =	stream.indirect_vreg.gather [hbm4b:s10+s5], $0x80, v24, vm0, $0xb8;
	[tilespmem:$0x19100] =	vst v63  }
0x15e: {  	v24 =	vld [tilespmem:$0xD0];
	_ =	sdelay $0x4  }
0x15f: {  	v56 =	vshll.u32 v24, $0x3  }
0x160: {  	v24 =	vand.u32 $0x7, v24;
	v25 =	vand.u32 $0xFFFFFFC0, v56  }
0x161: {  	v24 =	vor.u32 v24, v25  }
0x162: {  	v25 =	vperm.xlane v24, v5;
	_ =	sdelay $0x1  }
0x163: {  	v25 =	vadd.s32 v6, v25;
	_ =	sdelay $0x3  }
0x164: {  	s26 =	simm.s32 $0x5100  }
0x165: {  	[tilespmem:s26], [sflag:$0x1] =	stream.indirect_vreg.gather [hbm4b:s1+s5], $0x80, v25, vm0, $0xb8;
	[tilespmem:$0x19100] =	vst v63  }
0x166: {  	s28 =	simm.s32 $0x5900;
	v24 =	vperm.xlane v24, v7  }
0x167: {  	[tilespmem:s28], [sflag:$0x1] =	stream.indirect_vreg.gather [hbm4b:s7+s5], $0x80, v25, vm0, $0xb8;
	[tilespmem:$0x19100] =	vst v63  }
0x168: {  	s29 =	simm.s32 $0x6100;
	v24 =	vadd.s32 v6, v24  }
0x169: {  	[tilespmem:s29], [sflag:$0x1] =	stream.indirect_vreg.gather [hbm4b:s8+s5], $0x80, v25, vm0, $0xb8;
	[tilespmem:$0x19100] =	vst v63  }
0x16a: {  	s30 =	simm.s32 $0x6900  }
0x16b: {  	[tilespmem:s30], [sflag:$0x1] =	stream.indirect_vreg.gather [hbm4b:s10+s5], $0x80, v25, vm0, $0xb8;
	[tilespmem:$0x19100] =	vst v63  }
0x16c: {  	s31 =	simm.s32 $0x7100  }
0x16d: {  	[tilespmem:s31], [sflag:$0x1] =	stream.indirect_vreg.gather [hbm4b:s1+s5], $0x80, v24, vm0, $0xb8;
	[tilespmem:$0x19100] =	vst v63  }
0x16e: {  	s15 =	simm.s32 $0x7900  }
0x16f: {  	[tilespmem:s15], [sflag:$0x1] =	stream.indirect_vreg.gather [hbm4b:s7+s5], $0x80, v24, vm0, $0xb8;
	[tilespmem:$0x19100] =	vst v63  }
0x170: {  	s16 =	simm.s32 $0x8100  }
0x171: {  	[tilespmem:s16], [sflag:$0x1] =	stream.indirect_vreg.gather [hbm4b:s8+s5], $0x80, v24, vm0, $0xb8;
	[tilespmem:$0x19100] =	vst v63  }
0x172: {  	s17 =	simm.s32 $0x8900  }
0x173: {  	[tilespmem:s17], [sflag:$0x1] =	stream.indirect_vreg.gather [hbm4b:s10+s5], $0x80, v24, vm0, $0xb8;
	[tilespmem:$0x19100] =	vst v63  }
0x174: {  	_ =	swait.ge [sflag:s14], $0x8000  }
0x175: {  	[sflag:s14] =	ssyncset.done $0x0  }
0x176: {  	s18 =	rddreg [dreg:$0xa];
	[sflag:s14] =	ssyncadd.s32 $0xFFFF8000  }
0x177: {  	[hbm4b:s18+s5] =	stream.linear.scatter [tilespmem:s9], [sflag:$0x5], $0x8000, $0x38;
	[tilespmem:$0x19100] =	vst v63  }
0x178: {  	_ =	swait.ge [sflag:s11], $0x8000  }
0x179: {  	[sflag:s11] =	ssyncset.done $0x0  }
0x17a: {  	[sflag:s11] =	ssyncadd.s32 $0xFFFF8000  }
0x17b: {  	v57 =	vld [tilespmem:$0xE0];
	_ =	sdelay $0x4  }
0x17c: {  	v58 =	vshll.u32 v57, $0x3  }
0x17d: {  	v24 =	vand.u32 $0x7, v57;
	v25 =	vand.u32 $0xFFFFFFC0, v58  }
0x17e: {  	v24 =	vor.u32 v24, v25  }
0x17f: {  	v25 =	vperm.xlane v24, v5;
	_ =	sdelay $0x1  }
0x180: {  	v25 =	vadd.s32 v6, v25;
	_ =	sdelay $0x4  }
0x181: {  	[tilespmem:s9], [sflag:$0x2] =	stream.indirect_vreg.gather [hbm4b:s1+s5], $0x80, v25, vm0, $0xb8;
	[tilespmem:$0x19100] =	vst v63  }
0x182: {  	s19 =	simm.s32 $0x9900;
	v24 =	vperm.xlane v24, v7  }
0x183: {  	[tilespmem:s19], [sflag:$0x2] =	stream.indirect_vreg.gather [hbm4b:s7+s5], $0x80, v25, vm0, $0xb8;
	[tilespmem:$0x19100] =	vst v63  }
0x184: {  	s22 =	simm.s32 $0xA100;
	v24 =	vadd.s32 v6, v24  }
0x185: {  	[tilespmem:s22], [sflag:$0x2] =	stream.indirect_vreg.gather [hbm4b:s8+s5], $0x80, v25, vm0, $0xb8;
	[tilespmem:$0x19100] =	vst v63  }
0x186: {  	s25 =	simm.s32 $0xA900  }
0x187: {  	[tilespmem:s25], [sflag:$0x2] =	stream.indirect_vreg.gather [hbm4b:s10+s5], $0x80, v25, vm0, $0xb8;
	[tilespmem:$0x19100] =	vst v63  }
0x188: {  	s26 =	simm.s32 $0xB100  }
0x189: {  	[tilespmem:s26], [sflag:$0x2] =	stream.indirect_vreg.gather [hbm4b:s1+s5], $0x80, v24, vm0, $0xb8;
	[tilespmem:$0x19100] =	vst v63  }
0x18a: {  	s28 =	simm.s32 $0xB900  }
0x18b: {  	[tilespmem:s28], [sflag:$0x2] =	stream.indirect_vreg.gather [hbm4b:s7+s5], $0x80, v24, vm0, $0xb8;
	[tilespmem:$0x19100] =	vst v63  }
0x18c: {  	s29 =	simm.s32 $0xC100  }
0x18d: {  	[tilespmem:s29], [sflag:$0x2] =	stream.indirect_vreg.gather [hbm4b:s8+s5], $0x80, v24, vm0, $0xb8;
	[tilespmem:$0x19100] =	vst v63  }
0x18e: {  	s30 =	simm.s32 $0xC900  }
0x18f: {  	[tilespmem:s30], [sflag:$0x2] =	stream.indirect_vreg.gather [hbm4b:s10+s5], $0x80, v24, vm0, $0xb8;
	[tilespmem:$0x19100] =	vst v63  }
0x190: {  	v24 =	vld [tilespmem:$0xF0];
	_ =	sdelay $0x4  }
0x191: {  	v59 =	vshll.u32 v24, $0x3  }
0x192: {  	vm1 =	vlt.s32 v22, v23;
	v24 =	vand.u32 $0x7, v24;
	v25 =	vand.u32 $0xFFFFFFC0, v59  }
0x193: {  	v22 =	vsel vm1, v22, v23;
	v60 =	vor.u32 v24, v25  }
0x194: {  	vm1 =	vlt.s32 v22, v21;
	v24 =	vperm.xlane v60, v5  }
0x195: {  	v21 =	vsel vm1, v22, v21  }
0x196: {  	vm1 =	vlt.s32 v21, v20;
	v61 =	vadd.s32 v6, v24  }
0x197: {  	v20 =	vsel vm1, v21, v20  }
0x198: {  	vm1 =	vlt.s32 v20, v19  }
0x199: {  	v19 =	vsel vm1, v20, v19  }
0x19a: {  	vm1 =	vlt.s32 v19, v18;
	s31 =	simm.s32 $0xD100  }
0x19b: {  	v18 =	vsel vm1, v19, v18;
	[tilespmem:s31], [sflag:$0x2] =	stream.indirect_vreg.gather [hbm4b:s1+s5], $0x80, v61, vm0, $0xb8;
	[tilespmem:$0x19100] =	vst v63  }
0x19c: {  	vm1 =	vlt.s32 v18, v17;
	s15 =	simm.s32 $0xD900;
	v62 =	vperm.xlane v60, v7  }
0x19d: {  	v17 =	vsel vm1, v18, v17;
	[tilespmem:s15], [sflag:$0x2] =	stream.indirect_vreg.gather [hbm4b:s7+s5], $0x80, v61, vm0, $0xb8;
	[tilespmem:$0x19100] =	vst v63  }
0x19e: {  	vm1 =	vlt.s32 v17, v15;
	s16 =	simm.s32 $0xE100;
	v63 =	vadd.s32 v6, v62  }
0x19f: {  	v15 =	vsel vm1, v17, v15;
	[tilespmem:s16], [sflag:$0x2] =	stream.indirect_vreg.gather [hbm4b:s8+s5], $0x80, v61, vm0, $0xb8;
	[tilespmem:$0x19100] =	vst v63  }
0x1a0: {  	vm1 =	vlt.s32 v15, v16;
	s17 =	simm.s32 $0xE900  }
0x1a1: {  	v15 =	vsel vm1, v15, v16;
	[tilespmem:s17], [sflag:$0x2] =	stream.indirect_vreg.gather [hbm4b:s10+s5], $0x80, v61, vm0, $0xb8;
	[tilespmem:$0x19100] =	vst v63  }
0x1a2: {  	vm1 =	vlt.s32 v15, v14;
	s18 =	simm.s32 $0xF100  }
0x1a3: {  	v14 =	vsel vm1, v15, v14;
	[tilespmem:s18], [sflag:$0x2] =	stream.indirect_vreg.gather [hbm4b:s1+s5], $0x80, v63, vm0, $0xb8;
	[tilespmem:$0x19100] =	vst v63  }
0x1a4: {  	vm1 =	vlt.s32 v14, v13;
	s19 =	simm.s32 $0xF900  }
0x1a5: {  	v13 =	vsel vm1, v14, v13;
	[tilespmem:s19], [sflag:$0x2] =	stream.indirect_vreg.gather [hbm4b:s7+s5], $0x80, v63, vm0, $0xb8;
	[tilespmem:$0x19100] =	vst v63  }
0x1a6: {  	vm1 =	vlt.s32 v13, v12;
	s22 =	simm.s32 $0x10100  }
0x1a7: {  	v12 =	vsel vm1, v13, v12;
	[tilespmem:s22], [sflag:$0x2] =	stream.indirect_vreg.gather [hbm4b:s8+s5], $0x80, v63, vm0, $0xb8;
	[tilespmem:$0x19100] =	vst v63  }
0x1a8: {  	vm1 =	vlt.s32 v12, v11;
	s25 =	simm.s32 $0x10900  }
0x1a9: {  	v11 =	vsel vm1, v12, v11;
	[tilespmem:s25], [sflag:$0x2] =	stream.indirect_vreg.gather [hbm4b:s10+s5], $0x80, v63, vm0, $0xb8;
	[tilespmem:$0x19100] =	vst v63  }
0x1aa: {  	vm1 =	vlt.s32 v11, v10;
	_ =	swait.ge [sflag:s13], $0x8000  }
0x1ab: {  	v10 =	vsel vm1, v11, v10;
	[sflag:s13] =	ssyncset.done $0x0  }
0x1ac: {  	vm1 =	vlt.s32 v10, v39;
	s20 =	simm.s32 $0x11100;
	s26 =	rddreg [dreg:$0xb];
	[sflag:s13] =	ssyncadd.s32 $0xFFFF8000  }
0x1ad: {  	v9 =	vsel vm1, v10, v39;
	[hbm4b:s26+s5] =	stream.linear.scatter [tilespmem:s20], [sflag:$0x6], $0x8000, $0x38;
	[tilespmem:$0x19100] =	vst v63  }
0x1ae: {  	vm1 =	vlt.s32 v9, v8;
	_ =	swait.ge [sflag:s0], $0x8000  }
0x1af: {  	v8 =	vsel vm1, v9, v8;
	[sflag:s0] =	ssyncset.done $0x0  }
0x1b0: {  	v9 =	vperm.xlane v8, v0;
	s12 =	simm.s32 $0x1100;
	s28 =	rddreg [dreg:$0xc];
	[sflag:s0] =	ssyncadd.s32 $0xFFFF8000  }
0x1b1: {  	[hbm4b:s28+s5] =	stream.linear.scatter [tilespmem:s12], [sflag:$0x4], $0x8000, $0x38;
	[tilespmem:$0x19100] =	vst v63  }
0x1b2: {  	vm1 =	vlt.s32 v8, v9;
	_ =	swait.ge [sflag:s14], $0x8000  }
0x1b3: {  	v8 =	vsel vm1, v8, v9;
	[sflag:s14] =	ssyncset.done $0x0  }
0x1b4: {  	v9 =	vperm.xlane v8, v1;
	s29 =	rddreg [dreg:$0xd];
	[sflag:s14] =	ssyncadd.s32 $0xFFFF8000  }
0x1b5: {  	[hbm4b:s29+s5] =	stream.linear.scatter [tilespmem:s9], [sflag:$0x5], $0x8000, $0x38;
	[tilespmem:$0x19100] =	vst v63  }
0x1b6: {  	vm1 =	vlt.s32 v8, v9;
	_ =	swait.ge [sflag:s3], $0x8000  }
0x1b7: {  	v8 =	vsel vm1, v8, v9;
	[sflag:s3] =	ssyncset.done $0x0  }
0x1b8: {  	v9 =	vperm.xlane v8, v2;
	[sflag:s3] =	ssyncadd.s32 $0xFFFF8000  }
0x1b9: {  	_ =	swait.ge [sflag:s11], $0x8000  }
0x1ba: {  	vm1 =	vlt.s32 v8, v9;
	[sflag:s11] =	ssyncset.done $0x0  }
0x1bb: {  	v8 =	vsel vm1, v8, v9;
	[sflag:s11] =	ssyncadd.s32 $0xFFFF8000  }
0x1bc: {  	v9 =	vperm.xlane v8, v4;
	_ =	swait.ge [sflag:s6], $0x8000  }
0x1bd: {  	[sflag:s6] =	ssyncset.done $0x0  }
0x1be: {  	vm1 =	vlt.s32 v8, v9;
	s30 =	simm.s32 $0x7;
	[sflag:s6] =	ssyncadd.s32 $0xFFFF8000  }
0x1bf: {  	v8 =	vsel vm1, v8, v9;
	_ =	swait.ge [sflag:s30], $0x1000  }
0x1c0: {  	(v2sf) =	vpush v8, $0x0;
	_ =	sdelay $0xe  }
0x1c1: {  	s31 =	spop (v2sf)  }
0x1c2: {  	p0 =	sgt.s32 s31, $0x2  }
.Ltmp2:
0x1c3: {  	_ = 	snop;
	(pc) =	sbr.rel @p0 .LBB2_7-.Ltmp2, $4  }
.Ltmp3:
0x1c4: {  	_ = 	snop;
	(pc) =	sbr.rel @!p0 .LBB2_2-.Ltmp3, $4  }
0x1c5: {  	_ = 	snop  }
0x1c6: {  	[sflag:s30] =	ssyncset.done $0x0  }
0x1c7: {  	s16 =	simm.s32 $0x0;
	s15 =	rddreg [dreg:$0xf];
	[sflag:s30] =	ssyncadd.s32 $0xFFFFF000  }
0x1c8: {  	_ = 	snop  }
.LBB2_6:
0x1c9: {  	s16 =	sadd.s32 $0x1, s16  }
0x1ca: {  	p0 =	sne.s32 s16, $0x10  }
.Ltmp4:
0x1cb: {  	_ = 	snop;
	(pc) =	sbr.rel @!p0 .LBB2_7-.Ltmp4, $2  }
0x1cc: {  	_ =	sdelay $0x2  }
0x1cd: {  	s15 =	sadd.s32 $0x800, s15  }
.LBB2_2:
0x1ce: {  	s9 =	sshll.u32 s16, $0x4  }
0x1cf: {  	v8 =	vld [tilespmem:s9+$0x0];
	_ =	sdelay $0x4  }
0x1d0: {  	v9 =	vperm.xlane v8, v0;
	_ =	sdelay $0x1  }
0x1d1: {  	vm1 =	vlt.s32 v8, v9  }
0x1d2: {  	v9 =	vsel vm1, v8, v9  }
0x1d3: {  	v10 =	vperm.xlane v9, v1;
	_ =	sdelay $0x1  }
0x1d4: {  	vm1 =	vlt.s32 v9, v10  }
0x1d5: {  	v9 =	vsel vm1, v9, v10  }
0x1d6: {  	v10 =	vperm.xlane v9, v2;
	_ =	sdelay $0x1  }
0x1d7: {  	vm1 =	vlt.s32 v9, v10  }
0x1d8: {  	v9 =	vsel vm1, v9, v10  }
0x1d9: {  	v10 =	vperm.xlane v9, v4;
	_ =	sdelay $0x1  }
0x1da: {  	vm1 =	vlt.s32 v9, v10  }
0x1db: {  	v9 =	vsel vm1, v9, v10  }
0x1dc: {  	(v2sf) =	vpush v9, $0x0;
	_ =	sdelay $0xe  }
0x1dd: {  	s31 =	spop (v2sf)  }
0x1de: {  	p0 =	sgt.s32 s31, $0x2  }
.Ltmp5:
0x1df: {  	_ = 	snop;
	(pc) =	sbr.rel @p0 .LBB2_6-.Ltmp5, $2  }
0x1e0: {  	_ =	sdelay $0x2  }
0x1e1: {  	s9 =	simm.s32 $0x0  }
0x1e2: {  	v9 =	vadd.s32 s9, v3  }
0x1e3: {  	v9 =	vperm.xlane v8, v9;
	_ =	sdelay $0x1  }
0x1e4: {  	(v2sf) =	vpush v9, $0x0;
	_ =	sdelay $0xe  }
0x1e5: {  	s18 =	simm.s32 $0x1;
	s17 =	spop (v2sf)  }
0x1e6: {  	v9 =	vadd.s32 s18, v3;
	p0 =	sgt.s32 s17, $0x2  }
0x1e7: {  	v9 =	vperm.xlane v8, v9;
	s18 =	sshll.u32 @!p0 s17, $0xA;
	s17 =	sshll.u32 @!p0 s17, $0x7  }
0x1e8: {  	s9 =	sand.u32 @!p0 $0x70, s9;
	s18 =	sand.u32 @!p0 $0xFFFFF000, s18;
	s17 =	sand.u32 @!p0 $0x180, s17  }
0x1e9: {  	(v2sf) =	vpush v9, $0x0;
	s19 =	sand.u32 @!p0 $0xFFFFC00, s15;
	s9 =	sadd.s32 @!p0 s4, s9;
	s17 =	sor.u32 @!p0 s17, s18  }
0x1ea: {  	s18 =	sadd.s32 @!p0 s19, s9;
	s9 =	simm.s32 @!p0 $0x0;
	s19 =	sadd.s32 @!p0 $0x100, s17  }
0x1eb: {  	[hbm4b:s18+s9] =	stream.linear.scatter @!p0 [tilespmem:s19], [sflag:$0x8], $0x80, $0x38;
	[tilespmem:$0x19100] =	vst v63  }
0x1ec: {  	s22 =	sadd.s32 @!p0 $0x80, s18;
	s19 =	sadd.s32 @!p0 $0x300, s17  }
0x1ed: {  	[hbm4b:s22+s9] =	stream.linear.scatter @!p0 [tilespmem:s19], [sflag:$0x8], $0x80, $0x38;
	[tilespmem:$0x19100] =	vst v63  }
0x1ee: {  	s19 =	sadd.s32 @!p0 $0x500, s17;
	s22 =	sadd.s32 @!p0 $0x100, s18  }
0x1ef: {  	[hbm4b:s22+s9] =	stream.linear.scatter @!p0 [tilespmem:s19], [sflag:$0x8], $0x80, $0x38;
	[tilespmem:$0x19100] =	vst v63  }
0x1f0: {  	s25 =	sadd.s32 @!p0 $0x300, s18;
	s19 =	sadd.s32 @!p0 $0x700, s17;
	s22 =	sadd.s32 @!p0 $0x180, s18  }
0x1f1: {  	[hbm4b:s22+s9] =	stream.linear.scatter @!p0 [tilespmem:s19], [sflag:$0x8], $0x80, $0x38;
	[tilespmem:$0x19100] =	vst v63  }
0x1f2: {  	s26 =	sadd.s32 @!p0 $0xF00, s17;
	s19 =	sadd.s32 @!p0 $0x900, s17;
	s22 =	sadd.s32 @!p0 $0x200, s18  }
0x1f3: {  	[hbm4b:s22+s9] =	stream.linear.scatter @!p0 [tilespmem:s19], [sflag:$0x8], $0x80, $0x38;
	[tilespmem:$0x19100] =	vst v63  }
0x1f4: {  	s28 =	sadd.s32 @!p0 $0x380, s18;
	s19 =	sadd.s32 @!p0 $0x280, s18;
	s22 =	sadd.s32 @!p0 $0xB00, s17  }
0x1f5: {  	[hbm4b:s19+s9] =	stream.linear.scatter @!p0 [tilespmem:s22], [sflag:$0x8], $0x80, $0x38;
	[tilespmem:$0x19100] =	vst v63  }
0x1f6: {  	s18 =	simm.s32 $0x10;
	s19 =	simm.s32 $0x2;
	s22 =	sadd.s32 @!p0 $0xD00, s17  }
0x1f7: {  	[hbm4b:s25+s9] =	stream.linear.scatter @!p0 [tilespmem:s22], [sflag:$0x8], $0x80, $0x38;
	[tilespmem:$0x19100] =	vst v63  }
0x1f8: {  	s17 =	sadd.s32 $0x80, s15;
	s25 =	spop (v2sf);
	s22 =	simm.s32 @!p0 $0x8  }
.LBB2_4:
0x1f9: {  	v9 =	vadd.s32 s19, v3;
	s19 =	sadd.s32 $0x1, s19;
	p2 =	por p0, p0  }
0x1fa: {  	v9 =	vperm.xlane v8, v9;
	[hbm4b:s28+s9] =	stream.linear.scatter @!p2 [tilespmem:s26], [sflag:$0x8], $0x80, $0x38;
	[tilespmem:$0x19100] =	vst v63  }
0x1fb: {  	p1 =	sne.s32 s19, $0x10;
	_ =	swait.ge @!p2 [sflag:s22], $0x400  }
0x1fc: {  	p0 =	sgt.s32 s25, $0x2;
	[sflag:s22] =	ssyncset.done @!p2 $0x0  }
0x1fd: {  	s9 =	sshll.u32 @!p0 s25, $0xA;
	s25 =	sshll.u32 @!p0 s25, $0x7;
	(v2sf) =	vpush v9, $0x0;
	[sflag:s22] =	ssyncadd.s32 @!p2 $0xFFFFFC00  }
0x1fe: {  	s9 =	sand.u32 @!p0 $0xFFFFF000, s9;
	s25 =	sand.u32 @!p0 $0x180, s25;
	s22 =	sand.u32 @!p0 $0x70, s18  }
0x1ff: {  	s26 =	sand.u32 @!p0 $0xFFFFC00, s17;
	s25 =	sor.u32 @!p0 s25, s9;
	s22 =	sadd.s32 @!p0 s4, s22  }
0x200: {  	s9 =	simm.s32 @!p0 $0x0;
	s22 =	sadd.s32 @!p0 s26, s22;
	s26 =	sadd.s32 @!p0 $0x100, s25  }
0x201: {  	[hbm4b:s22+s9] =	stream.linear.scatter @!p0 [tilespmem:s26], [sflag:$0x8], $0x80, $0x38;
	[tilespmem:$0x19100] =	vst v63  }
0x202: {  	s29 =	sadd.s32 @!p0 $0x500, s25;
	s28 =	sadd.s32 @!p0 $0x80, s22;
	s26 =	sadd.s32 @!p0 $0x300, s25  }
0x203: {  	[hbm4b:s28+s9] =	stream.linear.scatter @!p0 [tilespmem:s26], [sflag:$0x8], $0x80, $0x38;
	[tilespmem:$0x19100] =	vst v63  }
0x204: {  	s30 =	sadd.s32 @!p0 $0x180, s22;
	s26 =	sadd.s32 @!p0 $0x100, s22;
	s28 =	sadd.s32 @!p0 $0x700, s25  }
0x205: {  	[hbm4b:s26+s9] =	stream.linear.scatter @!p0 [tilespmem:s29], [sflag:$0x8], $0x80, $0x38;
	[tilespmem:$0x19100] =	vst v63  }
0x206: {  	s31 =	sadd.s32 @!p0 $0x280, s22;
	s26 =	sadd.s32 @!p0 $0x900, s25;
	s29 =	sadd.s32 @!p0 $0x200, s22  }
0x207: {  	[hbm4b:s30+s9] =	stream.linear.scatter @!p0 [tilespmem:s28], [sflag:$0x8], $0x80, $0x38;
	[tilespmem:$0x19100] =	vst v63  }
0x208: {  	s2 =	sadd.s32 @!p0 $0xD00, s25;
	s12 =	sadd.s32 @!p0 $0x300, s22;
	s30 =	sadd.s32 @!p0 $0xB00, s25  }
0x209: {  	[hbm4b:s29+s9] =	stream.linear.scatter @!p0 [tilespmem:s26], [sflag:$0x8], $0x80, $0x38;
	[tilespmem:$0x19100] =	vst v63  }
.Ltmp6:
0x20a: {  	_ = 	snop;
	(pc) =	sbr.rel @p1 .LBB2_4-.Ltmp6, $4  }
0x20b: {  	s17 =	sadd.s32 $0x80, s17;
	s28 =	sadd.s32 @!p0 $0x380, s22;
	s26 =	sadd.s32 @!p0 $0xF00, s25  }
0x20c: {  	[hbm4b:s31+s9] =	stream.linear.scatter @!p0 [tilespmem:s30], [sflag:$0x8], $0x80, $0x38;
	[tilespmem:$0x19100] =	vst v63  }
0x20d: {  	s18 =	sadd.s32 $0x10, s18;
	s22 =	simm.s32 @!p0 $0x8;
	s25 =	spop (v2sf)  }
0x20e: {  	[hbm4b:s12+s9] =	stream.linear.scatter @!p0 [tilespmem:s2], [sflag:$0x8], $0x80, $0x38;
	[tilespmem:$0x19100] =	vst v63  }
0x20f: {  	p1 =	por p0, p0;
	p0 =	sgt.s32 s25, $0x2  }
0x210: {  	[hbm4b:s28+s9] =	stream.linear.scatter @!p1 [tilespmem:s26], [sflag:$0x8], $0x80, $0x38;
	[tilespmem:$0x19100] =	vst v63  }
0x211: {  	s2 =	sshll.u32 @!p0 s25, $0xA;
	s9 =	sshll.u32 @!p0 s25, $0x7  }
0x212: {  	s12 =	sand.u32 @!p0 $0x70, s18;
	s17 =	sand.u32 @!p0 $0xFFFFC00, s17;
	_ =	swait.ge @!p1 [sflag:s22], $0x400  }
0x213: {  	s2 =	sand.u32 @!p0 $0xFFFFF000, s2;
	s9 =	sand.u32 @!p0 $0x180, s9;
	s12 =	sadd.s32 @!p0 s4, s12  }
0x214: {  	[sflag:s22] =	ssyncset.done @!p1 $0x0;
	s2 =	sor.u32 @!p0 s9, s2;
	s9 =	sadd.s32 @!p0 s17, s12  }
0x215: {  	s17 =	simm.s32 @!p0 $0x0;
	[sflag:s22] =	ssyncadd.s32 @!p1 $0xFFFFFC00;
	s12 =	sadd.s32 @!p0 $0x100, s2  }
0x216: {  	[hbm4b:s9+s17] =	stream.linear.scatter @!p0 [tilespmem:s12], [sflag:$0x8], $0x80, $0x38;
	[tilespmem:$0x19100] =	vst v63  }
0x217: {  	s18 =	sadd.s32 @!p0 $0x80, s9;
	s12 =	sadd.s32 @!p0 $0x300, s2  }
0x218: {  	[hbm4b:s18+s17] =	stream.linear.scatter @!p0 [tilespmem:s12], [sflag:$0x8], $0x80, $0x38;
	[tilespmem:$0x19100] =	vst v63  }
0x219: {  	s12 =	sadd.s32 @!p0 $0x500, s2;
	s18 =	sadd.s32 @!p0 $0x100, s9  }
0x21a: {  	[hbm4b:s18+s17] =	stream.linear.scatter @!p0 [tilespmem:s12], [sflag:$0x8], $0x80, $0x38;
	[tilespmem:$0x19100] =	vst v63  }
0x21b: {  	s12 =	sadd.s32 @!p0 $0x700, s2;
	s18 =	sadd.s32 @!p0 $0x180, s9  }
0x21c: {  	[hbm4b:s18+s17] =	stream.linear.scatter @!p0 [tilespmem:s12], [sflag:$0x8], $0x80, $0x38;
	[tilespmem:$0x19100] =	vst v63  }
0x21d: {  	s12 =	sadd.s32 @!p0 $0x900, s2;
	s18 =	sadd.s32 @!p0 $0x200, s9  }
0x21e: {  	[hbm4b:s18+s17] =	stream.linear.scatter @!p0 [tilespmem:s12], [sflag:$0x8], $0x80, $0x38;
	[tilespmem:$0x19100] =	vst v63  }
0x21f: {  	s12 =	sadd.s32 @!p0 $0x280, s9;
	s18 =	sadd.s32 @!p0 $0xB00, s2  }
0x220: {  	[hbm4b:s12+s17] =	stream.linear.scatter @!p0 [tilespmem:s18], [sflag:$0x8], $0x80, $0x38;
	[tilespmem:$0x19100] =	vst v63  }
0x221: {  	s12 =	sadd.s32 @!p0 $0xD00, s2  }
0x222: {  	s18 =	sadd.s32 @!p0 $0x300, s9;
	s2 =	sadd.s32 @!p0 $0xF00, s2;
	s9 =	sadd.s32 @!p0 $0x380, s9  }
0x223: {  	[hbm4b:s18+s17] =	stream.linear.scatter @!p0 [tilespmem:s12], [sflag:$0x8], $0x80, $0x38;
	[tilespmem:$0x19100] =	vst v63  }
.Ltmp7:
0x224: {  	s12 =	simm.s32 @!p0 $0x8;
	p0 =	por p0, p0;
	(pc) =	sbr.rel .LBB2_6-.Ltmp7, $4  }
0x225: {  	[hbm4b:s9+s17] =	stream.linear.scatter @!p0 [tilespmem:s2], [sflag:$0x8], $0x80, $0x38;
	[tilespmem:$0x19100] =	vst v63  }
0x226: {  	_ =	swait.ge @!p0 [sflag:s12], $0x400  }
0x227: {  	[sflag:s12] =	ssyncset.done @!p0 $0x0  }
0x228: {  	[sflag:s12] =	ssyncadd.s32 @!p0 $0xFFFFFC00  }
.LBB2_8:
0x229: {  	_ =	sfence.sel $0x180000  }
0x22a: {  	[bflag:$0x0] =	sbarrier.arrive $0xFFFF  }
0x22b: {  	_ =	strace $0x90000047  }
0x22c: {  	s0 =	stileid.u32;
	[bflag:$0x2] =	sbarrier.arrive $0xFFFF  }
0x22d: {  	p0 =	sne.s32 s0, $0x0;
	s0 =	rddreg [dreg:$0x4]  }
0x22e: {  	s0 =	sadd.s32 @!p0 $0x100000, s0  }
0x22f: {  	[sflag:s0] =	ssyncadd.tile.s32 @!p0 $0x1;
	_ =	shalt  }
.Lfunc_end2:
_tile_overlayer_lowered:
.L_overlay_start_2:
0x230: {  	(tag) =	ssettag $0x2  }
0x231: {  	s0 =	rddreg [dreg:$0x0];
	s2 =	stileid.u32  }
0x232: {  	s1 =	rddreg [dreg:$0x1];
	p0 =	sne.s32 s2, $0x0  }
0x233: {  	s3 =	rddreg [dreg:$0x2];
	[bflag:$0x3] =	sbarrier.arrive $0xFFFF;
	s2 =	simm.s32 @!p0 $0x1C08  }
0x234: {  	[timem:s3], [sflag:s2] =	dma.local @!p0 [hbm:s0], s1  }
0x235: {  	s0 =	simm.s32 @!p0 $0x8  }
0x236: {  	_ =	swait.ge @!p0 [sflag:s0], s1  }
0x237: {  	s1 =	ssub.s32 @!p0 $0x0, s1;
	[sflag:s0] =	ssyncset.done @!p0 $0x0  }
0x238: {  	[sflag:s0] =	ssyncadd.s32 @!p0 s1  }
0x239: {  	[bflag:$0x3] =	sbarrier.arrive $0xFFFF  }
0x23a: {  	_ =	shalt  }

</sc_bundles>
